<compile_context>
chip_gen: v7x
topology: tpu7x:2x2x1
jax: 0.10.2.dev20260603
libtpu: 0.0.44.dev20260713+nightly
codegen_flags: <defaults>
</compile_context>

<pallas_src>
import functools

import jax
import jax.numpy as jnp
from jax import lax
from jax.experimental import pallas as pl
from jax.experimental.pallas import tpu as pltpu
from jax.experimental.pallas import tpu_sc as plsc

N = 10000
NP = 10240
D = 128
E = 320000
NCORE = 2
NSUB = 16
NW = NCORE * NSUB
CH = 128
NCH = 80
NSTRIP = 2
CPS = NCH // NSTRIP
EP = NW * NCH * CH
RPT = NP // NSUB
RB = 512
GRID = NP // RB


def _mesh():
    return plsc.VectorSubcoreMesh(core_axis_name="c", subcore_axis_name="s")


def _deg_body(dst_hbm, ones_hbm, zrow_hbm, out_hbm, idx_v, ones_v, acc_sh):
    c = lax.axis_index("c")
    s = lax.axis_index("s")
    w = c * NSUB + s
    pltpu.sync_copy(zrow_hbm, acc_sh.at[pl.ds(s * RPT, RPT)])
    pltpu.sync_copy(ones_hbm, ones_v)
    pltpu.sync_copy(dst_hbm.at[pl.ds(w * NCH, NCH)], idx_v)
    plsc.subcore_barrier()

    @pl.loop(0, NCH)
    def _(j):
        pltpu.sync_copy(ones_v, acc_sh.at[idx_v.at[j]], add=True)

    plsc.subcore_barrier()
    pltpu.sync_copy(acc_sh.at[pl.ds(s * RPT, RPT)],
                    out_hbm.at[pl.ds(c * NP + s * RPT, RPT)])


_deg_call = functools.partial(
    pl.kernel,
    out_type=jax.ShapeDtypeStruct((NCORE * NP,), jnp.float32),
    mesh=_mesh(),
    scratch_types=[
        pltpu.VMEM((NCH, CH), jnp.int32),
        pltpu.VMEM((CH,), jnp.float32),
        pltpu.VMEM_SHARED((NP,), jnp.float32),
    ],
)(_deg_body)


def _spmm_body(hp_hbm, src_hbm, dst_hbm, zrows_hbm, out_hbm,
               srci_v, dsti_v, rows_v, acc_sh, sem):
    c = lax.axis_index("c")
    s = lax.axis_index("s")
    w = c * NSUB + s

    @pl.when(c == 0)
    def _():
        pltpu.sync_copy(hp_hbm.at[pl.ds(s * RPT, RPT)],
                        acc_sh.at[pl.ds(s * RPT, RPT)])

    @pl.when(c == 1)
    def _():
        pltpu.sync_copy(zrows_hbm, acc_sh.at[pl.ds(s * RPT, RPT)])

    plsc.subcore_barrier()

    for strip in range(NSTRIP):
        base = w * NCH + strip * CPS
        pltpu.sync_copy(src_hbm.at[pl.ds(base, CPS)], srci_v)
        pltpu.sync_copy(dst_hbm.at[pl.ds(base, CPS)], dsti_v)
        pltpu.make_async_copy(hp_hbm.at[srci_v.at[0]], rows_v.at[0],
                              sem).start()
        pltpu.make_async_copy(hp_hbm.at[srci_v.at[1]], rows_v.at[1],
                              sem).start()

        @pl.loop(0, CPS // 2)
        def _(jj):
            for b in range(2):
                j = jj * 2 + b
                pltpu.make_async_copy(hp_hbm.at[srci_v.at[j]], rows_v.at[b],
                                      sem).wait()
                pltpu.sync_copy(rows_v.at[b], acc_sh.at[dsti_v.at[j]],
                                add=True)

                @pl.when(j + 2 < CPS)
                def _():
                    pltpu.make_async_copy(hp_hbm.at[srci_v.at[j + 2]],
                                          rows_v.at[b], sem).start()

    plsc.subcore_barrier()
    pltpu.sync_copy(acc_sh.at[pl.ds(s * RPT, RPT)],
                    out_hbm.at[c, pl.ds(s * RPT, RPT), :])


_spmm_call = functools.partial(
    pl.kernel,
    out_type=jax.ShapeDtypeStruct((NCORE, NP, D), jnp.float32),
    mesh=_mesh(),
    scratch_types=[
        pltpu.VMEM((CPS, CH), jnp.int32),
        pltpu.VMEM((CPS, CH), jnp.int32),
        pltpu.VMEM((2, CH, D), jnp.float32),
        pltpu.VMEM_SHARED((NP, D), jnp.float32),
        pltpu.SemaphoreType.DMA,
    ],
)(_spmm_body)


def _tc_a_body(x_ref, w_ref, da_ref, db_ref, hp_ref, dinv_ref):
    di = lax.rsqrt(da_ref[...] + db_ref[...] + 1.0)
    dinv_ref[...] = di
    t = jnp.dot(x_ref[...], w_ref[...], preferred_element_type=jnp.float32)
    hp_ref[...] = t * di


def _tc_c_body(p0_ref, p1_ref, di_ref, w2_ref, s1_ref, c1_ref,
               x1_ref, hp2_ref):
    di = di_ref[...]
    tot = (p0_ref[...] + p1_ref[...]) * di
    x1 = jnp.maximum(tot * s1_ref[...] + c1_ref[...], 0.0)
    x1_ref[...] = x1
    hp2_ref[...] = jnp.dot(x1, w2_ref[...],
                           preferred_element_type=jnp.float32) * di


def _tc_e_body(q0_ref, q1_ref, di_ref, x1_ref, s2_ref, c2_ref,
               la_ref, lb_ref, lb1_ref, lw2_ref, lb2_ref, out_ref):
    di = di_ref[...]
    x2 = jnp.maximum(((q0_ref[...] + q1_ref[...]) * di)
                     * s2_ref[...] + c2_ref[...], 0.0)
    h3 = jnp.dot(x1_ref[...], la_ref[...], preferred_element_type=jnp.float32)
    h3 = h3 + jnp.dot(x2, lb_ref[...], preferred_element_type=jnp.float32)
    h3 = jnp.maximum(h3 + lb1_ref[...], 0.0)
    out_ref[...] = (jnp.dot(h3, lw2_ref[...],
                            preferred_element_type=jnp.float32) + lb2_ref[...])


def _row_spec():
    return pl.BlockSpec((RB, D), lambda i: (i, 0))


def _col_spec():
    return pl.BlockSpec((RB, 1), lambda i: (i, 0))


def _mat_spec():
    return pl.BlockSpec((D, D), lambda i: (0, 0))


def _vec_spec():
    return pl.BlockSpec((1, D), lambda i: (0, 0))


def kernel(x, edge_index, W1, b1, g1, be1, W2, b2, g2, be2, LW1, Lb1, LW2, Lb2):
    f32 = jnp.float32
    pad_e = N + (jnp.arange(EP - E, dtype=jnp.int32) % (NP - N))
    src2d = jnp.concatenate([edge_index[0], pad_e]).reshape(EP // CH, CH)
    dst2d = jnp.concatenate([edge_index[1], pad_e]).reshape(EP // CH, CH)
    x_pad = jnp.pad(x, ((0, NP - N), (0, 0)))
    ones_r = jnp.ones((CH,), f32)
    zrow = jnp.zeros((RPT,), f32)
    zrows = jnp.zeros((RPT, D), f32)

    rs = jax.lax.rsqrt(f32(1.0 + 1e-5))
    s1v = g1 * rs
    c1v = b1 * s1v + be1
    s2v = g2 * rs
    c2v = b2 * s2v + be2
    s1 = s1v[None, :]
    c1 = c1v[None, :]
    s2 = s2v[None, :]
    c2 = c2v[None, :]
    la = LW1[:D]
    lb = LW1[D:]
    lb1 = Lb1[None, :]
    lb2 = Lb2[None, :]

    degs = _deg_call(dst2d, ones_r, zrow)
    dega = degs[:NP, None]
    degb = degs[NP:, None]

    hp1, dinv = pl.pallas_call(
        _tc_a_body,
        grid=(GRID,),
        in_specs=[_row_spec(), _mat_spec(), _col_spec(), _col_spec()],
        out_specs=[_row_spec(), _col_spec()],
        out_shape=[jax.ShapeDtypeStruct((NP, D), f32),
                   jax.ShapeDtypeStruct((NP, 1), f32)],
    )(x_pad, W1, dega, degb)

    p = _spmm_call(hp1, src2d, dst2d, zrows)

    x1, hp2 = pl.pallas_call(
        _tc_c_body,
        grid=(GRID,),
        in_specs=[_row_spec(), _row_spec(), _col_spec(),
                  _mat_spec(), _vec_spec(), _vec_spec()],
        out_specs=[_row_spec(), _row_spec()],
        out_shape=[jax.ShapeDtypeStruct((NP, D), f32),
                   jax.ShapeDtypeStruct((NP, D), f32)],
    )(p[0], p[1], dinv, W2, s1, c1)

    q = _spmm_call(hp2, src2d, dst2d, zrows)

    out = pl.pallas_call(
        _tc_e_body,
        grid=(GRID,),
        in_specs=[_row_spec(), _row_spec(), _col_spec(),
                  _row_spec(), _vec_spec(), _vec_spec(),
                  _mat_spec(), _mat_spec(), _vec_spec(),
                  _mat_spec(), _vec_spec()],
        out_specs=_row_spec(),
        out_shape=jax.ShapeDtypeStruct((NP, D), f32),
    )(q[0], q[1], dinv, x1, s2, c2, la, lb, lb1, LW2, lb2)

    return out[:N]

# --- scband reference (transcript-rebuilt; emitter-appended) ---
"""Pipeline reference for scband-jknet-6828998001541 (READ-ONLY COPY).

The authoritative reference and input builder live on the scoring server;
editing this copy changes nothing except your own understanding.
"""

import jax, jax.numpy as jnp
import numpy as np

N = 10000
E = 320000
D_IN = 128
HID = 128
OUT = 128
NUM_LAYERS = 2
EPS = 1e-5


def gcn_conv(x, src, dst, W, b):
    # PyG GCNConv: x' = D^{-1/2} (A + I) D^{-1/2} (x W) + b
    h = x @ W
    n = h.shape[0]
    loop = jnp.arange(n, dtype=src.dtype)
    s = jnp.concatenate([src, loop])
    d = jnp.concatenate([dst, loop])
    deg = jnp.zeros((n,), h.dtype).at[d].add(1.0)
    dinv = jnp.where(deg > 0, jax.lax.rsqrt(deg), 0.0)
    norm = dinv[s] * dinv[d]
    msg = h[s] * norm[:, None]
    out = jnp.zeros_like(h).at[d].add(msg)
    return out + b


def bn_eval(x, g, be):
    # eval-mode BatchNorm1d with fresh running stats (mean=0, var=1)
    return x * (g * jax.lax.rsqrt(jnp.float32(1.0 + EPS))) + be


def setup_inputs(seed: int = 0):
    key = jax.random.key(seed)
    ks = jax.random.split(key, 8)

    def w(k, fi, fo):
        return (jax.random.normal(k, (fi, fo), jnp.float32) / np.sqrt(fi)).astype(jnp.float32)

    return {
        "x": jax.random.normal(ks[0], (N, D_IN), jnp.float32),
        "edge_index": jax.random.randint(ks[1], (2, E), 0, N, dtype=jnp.int32),
        "W1": w(ks[2], D_IN, HID),
        "b1": jnp.zeros((HID,), jnp.float32),
        "g1": jnp.ones((HID,), jnp.float32),
        "be1": jnp.zeros((HID,), jnp.float32),
        "W2": w(ks[3], HID, HID),
        "b2": jnp.zeros((HID,), jnp.float32),
        "g2": jnp.ones((HID,), jnp.float32),
        "be2": jnp.zeros((HID,), jnp.float32),
        "LW1": w(ks[4], NUM_LAYERS * HID, HID),
        "Lb1": jnp.zeros((HID,), jnp.float32),
        "LW2": w(ks[5], HID, OUT),
        "Lb2": jnp.zeros((OUT,), jnp.float32),
    }


def reference(x, edge_index, W1, b1, g1, be1, W2, b2, g2, be2, LW1, Lb1, LW2, Lb2):
    # eval mode: dropout is identity
    src, dst = edge_index[0], edge_index[1]
    h = gcn_conv(x, src, dst, W1, b1)
    h = bn_eval(h, g1, be1)
    h = jax.nn.relu(h)
    x1 = h
    h = gcn_conv(h, src, dst, W2, b2)
    h = bn_eval(h, g2, be2)
    h = jax.nn.relu(h)
    x2 = h
    j = jnp.concatenate([x1, x2], axis=1)  # JumpingKnowledge mode='cat'
    h = jax.nn.relu(j @ LW1 + Lb1)
    out = h @ LW2 + Lb2
    return out

if __name__ == "__main__":
    import jax
    _d = setup_inputs()
    print(jax.jit(kernel)(*tuple(_d.values())))

</pallas_src>

<mosaic_0001>
#map = affine_map<(d0, d1) -> (0, 0)>
#map1 = affine_map<(d0, d1) -> (0, 0, 0)>
module attributes {stable_mosaic.version = 14 : i64} {
  func.func @_spmm_body(%arg0: i32, %arg1: i32, %arg2: memref<10240x128xf32, #tpu.memory_space<hbm>>, %arg3: memref<2560x128xi32, #tpu.memory_space<hbm>>, %arg4: memref<2560x128xi32, #tpu.memory_space<hbm>>, %arg5: memref<640x128xf32, #tpu.memory_space<hbm>>, %arg6: memref<2x10240x128xf32, #tpu.memory_space<hbm>>, %arg7: memref<40x128xi32, #tpu.memory_space<vmem>>, %arg8: memref<40x128xi32, #tpu.memory_space<vmem>>, %arg9: memref<2x128x128xf32, #tpu.memory_space<vmem>>, %arg10: memref<10240x128xf32, #tpu.memory_space<vmem_shared>>, %arg11: memref<!tpu.dma_semaphore, #tpu.memory_space<semaphore_mem>>) attributes {dimension_semantics = [#tpu.dimension_semantics<core_parallel>, #tpu.dimension_semantics<subcore_parallel>], iteration_bounds = array<i64: 2, 16>, scalar_prefetch = 0 : i64, scratch_operands = 5 : i64, tpu.core_type = #tpu.core_type<sc_vector_subcore>, window_params = [{transform_indices = #map}, {transform_indices = #map}, {transform_indices = #map}, {transform_indices = #map}, {transform_indices = #map1}]} {
    %mul3A = arith.constant 16 : i32
    %mul3A_0 = arith.muli %arg0, %mul3A : i32
    %add3A = arith.addi %mul3A_0, %arg1 : i32
    %eq3A = arith.constant 0 : i32
    %eq3A_1 = arith.cmpi eq, %arg0, %eq3A : i32
    %convert_element_type3A = arith.extui %eq3A_1 : i1 to i32
    %cond3A = arith.constant 0 : i32
    %cond3A_2 = arith.cmpi ne, %convert_element_type3A, %cond3A : i32
    scf.if %cond3A_2 {
      %mul3A_77 = arith.constant 640 : i32
      %mul3A_78 = arith.muli %arg1, %mul3A_77 : i32
      %mul3A_79 = arith.constant 640 : i32
      %mul3A_80 = arith.muli %arg1, %mul3A_79 : i32
      "tpu.region"() ({
        %run_scoped3A = tpu.sem_alloc : memref<!tpu.dma_semaphore, #tpu.memory_space<semaphore_mem>>
        %dma_start3A_81 = arith.constant 0 : i32
        %dma_start3A_82 = tpu.memref_slice %arg10[%mul3A_80, %dma_start3A_81] : memref<10240x128xf32, #tpu.memory_space<vmem_shared>> -> memref<640x128xf32, #tpu.memory_space<vmem_shared>>
        %dma_start3A_83 = arith.constant 0 : i32
        %dma_start3A_84 = tpu.memref_slice %arg2[%mul3A_78, %dma_start3A_83] : memref<10240x128xf32, #tpu.memory_space<hbm>> -> memref<640x128xf32, #tpu.memory_space<hbm>>
        tpu.enqueue_dma source(%dma_start3A_84 : memref<640x128xf32, #tpu.memory_space<hbm>>) target(%dma_start3A_82 : memref<640x128xf32, #tpu.memory_space<vmem_shared>>) target_semaphore(%run_scoped3A : memref<!tpu.dma_semaphore, #tpu.memory_space<semaphore_mem>>)
        %dma_wait3A = arith.constant 0 : i32
        %dma_wait3A_85 = tpu.memref_slice %arg10[%mul3A_80, %dma_wait3A] : memref<10240x128xf32, #tpu.memory_space<vmem_shared>> -> memref<640x128xf32, #tpu.memory_space<vmem_shared>>
        %dma_wait3A_86 = arith.constant 0 : i32
        %dma_wait3A_87 = tpu.memref_slice %arg2[%mul3A_78, %dma_wait3A_86] : memref<10240x128xf32, #tpu.memory_space<hbm>> -> memref<640x128xf32, #tpu.memory_space<hbm>>
        tpu.wait_dma2 semaphore(%run_scoped3A : memref<!tpu.dma_semaphore, #tpu.memory_space<semaphore_mem>>) src(%dma_wait3A_87 : memref<640x128xf32, #tpu.memory_space<hbm>>) dst(%dma_wait3A_85 : memref<640x128xf32, #tpu.memory_space<vmem_shared>>)
        tpu.yield
      }) : () -> ()
    } else {
    }
    %eq3A_3 = arith.constant 1 : i32
    %eq3A_4 = arith.cmpi eq, %arg0, %eq3A_3 : i32
    %convert_element_type3A_5 = arith.extui %eq3A_4 : i1 to i32
    %cond3A_6 = arith.constant 0 : i32
    %cond3A_7 = arith.cmpi ne, %convert_element_type3A_5, %cond3A_6 : i32
    scf.if %cond3A_7 {
      %mul3A_77 = arith.constant 640 : i32
      %mul3A_78 = arith.muli %arg1, %mul3A_77 : i32
      "tpu.region"() ({
        %run_scoped3A = tpu.sem_alloc : memref<!tpu.dma_semaphore, #tpu.memory_space<semaphore_mem>>
        %dma_start3A_79 = arith.constant 0 : i32
        %dma_start3A_80 = tpu.memref_slice %arg10[%mul3A_78, %dma_start3A_79] : memref<10240x128xf32, #tpu.memory_space<vmem_shared>> -> memref<640x128xf32, #tpu.memory_space<vmem_shared>>
        tpu.enqueue_dma source(%arg5 : memref<640x128xf32, #tpu.memory_space<hbm>>) target(%dma_start3A_80 : memref<640x128xf32, #tpu.memory_space<vmem_shared>>) target_semaphore(%run_scoped3A : memref<!tpu.dma_semaphore, #tpu.memory_space<semaphore_mem>>)
        %dma_wait3A = arith.constant 0 : i32
        %dma_wait3A_81 = tpu.memref_slice %arg10[%mul3A_78, %dma_wait3A] : memref<10240x128xf32, #tpu.memory_space<vmem_shared>> -> memref<640x128xf32, #tpu.memory_space<vmem_shared>>
        tpu.wait_dma2 semaphore(%run_scoped3A : memref<!tpu.dma_semaphore, #tpu.memory_space<semaphore_mem>>) src(%arg5 : memref<640x128xf32, #tpu.memory_space<hbm>>) dst(%dma_wait3A_81 : memref<640x128xf32, #tpu.memory_space<vmem_shared>>)
        tpu.yield
      }) : () -> ()
    } else {
    }
    %barrier3A = arith.constant 0 : index
    tpu.barrier barrier_id(%barrier3A)
    %mul3A_8 = arith.constant 80 : i32
    %mul3A_9 = arith.muli %add3A, %mul3A_8 : i32
    %add3A_10 = arith.constant 0 : i32
    %add3A_11 = arith.addi %mul3A_9, %add3A_10 : i32
    "tpu.region"() ({
      %run_scoped3A = tpu.sem_alloc : memref<!tpu.dma_semaphore, #tpu.memory_space<semaphore_mem>>
      %dma_start3A_77 = arith.constant 0 : i32
      %dma_start3A_78 = tpu.memref_slice %arg3[%add3A_11, %dma_start3A_77] : memref<2560x128xi32, #tpu.memory_space<hbm>> -> memref<40x128xi32, #tpu.memory_space<hbm>>
      %dma_start3A_79 = arith.constant 0 : i32
      %dma_start3A_80 = tpu.memref_slice %arg3[%add3A_11, %dma_start3A_79] : memref<2560x128xi32, #tpu.memory_space<hbm>> -> memref<40x128xi32, #tpu.memory_space<hbm>>
      tpu.enqueue_dma source(%dma_start3A_80 : memref<40x128xi32, #tpu.memory_space<hbm>>) target(%arg7 : memref<40x128xi32, #tpu.memory_space<vmem>>) target_semaphore(%run_scoped3A : memref<!tpu.dma_semaphore, #tpu.memory_space<semaphore_mem>>)
      %dma_wait3A = arith.constant 0 : i32
      %dma_wait3A_81 = tpu.memref_slice %arg3[%add3A_11, %dma_wait3A] : memref<2560x128xi32, #tpu.memory_space<hbm>> -> memref<40x128xi32, #tpu.memory_space<hbm>>
      %dma_wait3A_82 = arith.constant 0 : i32
      %dma_wait3A_83 = tpu.memref_slice %arg3[%add3A_11, %dma_wait3A_82] : memref<2560x128xi32, #tpu.memory_space<hbm>> -> memref<40x128xi32, #tpu.memory_space<hbm>>
      tpu.wait_dma2 semaphore(%run_scoped3A : memref<!tpu.dma_semaphore, #tpu.memory_space<semaphore_mem>>) src(%dma_wait3A_83 : memref<40x128xi32, #tpu.memory_space<hbm>>) dst(%arg7 : memref<40x128xi32, #tpu.memory_space<vmem>>)
      tpu.yield
    }) : () -> ()
    "tpu.region"() ({
      %run_scoped3A = tpu.sem_alloc : memref<!tpu.dma_semaphore, #tpu.memory_space<semaphore_mem>>
      %dma_start3A_77 = arith.constant 0 : i32
      %dma_start3A_78 = tpu.memref_slice %arg4[%add3A_11, %dma_start3A_77] : memref<2560x128xi32, #tpu.memory_space<hbm>> -> memref<40x128xi32, #tpu.memory_space<hbm>>
      %dma_start3A_79 = arith.constant 0 : i32
      %dma_start3A_80 = tpu.memref_slice %arg4[%add3A_11, %dma_start3A_79] : memref<2560x128xi32, #tpu.memory_space<hbm>> -> memref<40x128xi32, #tpu.memory_space<hbm>>
      tpu.enqueue_dma source(%dma_start3A_80 : memref<40x128xi32, #tpu.memory_space<hbm>>) target(%arg8 : memref<40x128xi32, #tpu.memory_space<vmem>>) target_semaphore(%run_scoped3A : memref<!tpu.dma_semaphore, #tpu.memory_space<semaphore_mem>>)
      %dma_wait3A = arith.constant 0 : i32
      %dma_wait3A_81 = tpu.memref_slice %arg4[%add3A_11, %dma_wait3A] : memref<2560x128xi32, #tpu.memory_space<hbm>> -> memref<40x128xi32, #tpu.memory_space<hbm>>
      %dma_wait3A_82 = arith.constant 0 : i32
      %dma_wait3A_83 = tpu.memref_slice %arg4[%add3A_11, %dma_wait3A_82] : memref<2560x128xi32, #tpu.memory_space<hbm>> -> memref<40x128xi32, #tpu.memory_space<hbm>>
      tpu.wait_dma2 semaphore(%run_scoped3A : memref<!tpu.dma_semaphore, #tpu.memory_space<semaphore_mem>>) src(%dma_wait3A_83 : memref<40x128xi32, #tpu.memory_space<hbm>>) dst(%arg8 : memref<40x128xi32, #tpu.memory_space<vmem>>)
      tpu.yield
    }) : () -> ()
    %dma_start3A = arith.constant 0 : i32
    %dma_start3A_12 = arith.constant 0 : i32
    %dma_start3A_13 = arith.constant 0 : i32
    %dma_start3A_14 = arith.constant 0 : i32
    %dma_start3A_15 = tpu.memref_slice %arg9[%dma_start3A_12, %dma_start3A_13, %dma_start3A_14] : memref<2x128x128xf32, #tpu.memory_space<vmem>> -> memref<1x128x128xf32, #tpu.memory_space<vmem>>
    %dma_start3A_16 = tpu.memref_squeeze %dma_start3A_15 : memref<1x128x128xf32, #tpu.memory_space<vmem>> -> memref<128x128xf32, #tpu.memory_space<vmem>>
    %dma_start3A_17 = arith.constant 0 : i32
    %dma_start3A_18 = tpu.memref_slice %arg7[%dma_start3A, %dma_start3A_17] : memref<40x128xi32, #tpu.memory_space<vmem>> -> memref<1x128xi32, #tpu.memory_space<vmem>>
    %dma_start3A_19 = tpu.memref_squeeze %dma_start3A_18 : memref<1x128xi32, #tpu.memory_space<vmem>> -> memref<128xi32, #tpu.memory_space<vmem>>
    %dma_start3A_20 = arith.constant 0 : i32
    %dma_start3A_21 = arith.constant 0 : i32
    %dma_start3A_22 = tpu.memref_slice %arg2[%dma_start3A_20, %dma_start3A_21] : memref<10240x128xf32, #tpu.memory_space<hbm>> -> memref<10240x128xf32, #tpu.memory_space<hbm>>
    tpu.enqueue_indirect_dma source(%dma_start3A_22 : memref<10240x128xf32, #tpu.memory_space<hbm>>) target(%dma_start3A_16 : memref<128x128xf32, #tpu.memory_space<vmem>>) offsets(%dma_start3A_19 : memref<128xi32, #tpu.memory_space<vmem>>) semaphore(%arg11 : memref<!tpu.dma_semaphore, #tpu.memory_space<semaphore_mem>>)
    %dma_start3A_23 = arith.constant 1 : i32
    %dma_start3A_24 = arith.constant 1 : i32
    %dma_start3A_25 = arith.constant 0 : i32
    %dma_start3A_26 = arith.constant 0 : i32
    %dma_start3A_27 = tpu.memref_slice %arg9[%dma_start3A_24, %dma_start3A_25, %dma_start3A_26] : memref<2x128x128xf32, #tpu.memory_space<vmem>> -> memref<1x128x128xf32, #tpu.memory_space<vmem>>
    %dma_start3A_28 = tpu.memref_squeeze %dma_start3A_27 : memref<1x128x128xf32, #tpu.memory_space<vmem>> -> memref<128x128xf32, #tpu.memory_space<vmem>>
    %dma_start3A_29 = arith.constant 0 : i32
    %dma_start3A_30 = tpu.memref_slice %arg7[%dma_start3A_23, %dma_start3A_29] : memref<40x128xi32, #tpu.memory_space<vmem>> -> memref<1x128xi32, #tpu.memory_space<vmem>>
    %dma_start3A_31 = tpu.memref_squeeze %dma_start3A_30 : memref<1x128xi32, #tpu.memory_space<vmem>> -> memref<128xi32, #tpu.memory_space<vmem>>
    %dma_start3A_32 = arith.constant 0 : i32
    %dma_start3A_33 = arith.constant 0 : i32
    %dma_start3A_34 = tpu.memref_slice %arg2[%dma_start3A_32, %dma_start3A_33] : memref<10240x128xf32, #tpu.memory_space<hbm>> -> memref<10240x128xf32, #tpu.memory_space<hbm>>
    tpu.enqueue_indirect_dma source(%dma_start3A_34 : memref<10240x128xf32, #tpu.memory_space<hbm>>) target(%dma_start3A_28 : memref<128x128xf32, #tpu.memory_space<vmem>>) offsets(%dma_start3A_31 : memref<128xi32, #tpu.memory_space<vmem>>) semaphore(%arg11 : memref<!tpu.dma_semaphore, #tpu.memory_space<semaphore_mem>>)
    %scan3A = arith.constant 0 : i32
    %scan3A_35 = arith.constant 20 : i32
    %scan3A_36 = arith.addi %scan3A, %scan3A_35 : i32
    %scan3A_37 = arith.constant 1 : i32
    scf.for %scan3A_77 = %scan3A to %scan3A_36 step %scan3A_37  : i32 {
      %mul3A_78 = arith.constant 1 : i32
      %mul3A_79 = arith.muli %scan3A_77, %mul3A_78 : i32
      %add3A_80 = arith.constant 0 : i32
      %add3A_81 = arith.addi %add3A_80, %mul3A_79 : i32
      %mul3A_82 = arith.constant 2 : i32
      %mul3A_83 = arith.muli %add3A_81, %mul3A_82 : i32
      %add3A_84 = arith.constant 0 : i32
      %add3A_85 = arith.addi %mul3A_83, %add3A_84 : i32
      %dma_wait3A = arith.constant 0 : i32
      %dma_wait3A_86 = arith.constant 0 : i32
      %dma_wait3A_87 = arith.constant 0 : i32
      %dma_wait3A_88 = tpu.memref_slice %arg9[%dma_wait3A, %dma_wait3A_86, %dma_wait3A_87] : memref<2x128x128xf32, #tpu.memory_space<vmem>> -> memref<1x128x128xf32, #tpu.memory_space<vmem>>
      %dma_wait3A_89 = tpu.memref_squeeze %dma_wait3A_88 : memref<1x128x128xf32, #tpu.memory_space<vmem>> -> memref<128x128xf32, #tpu.memory_space<vmem>>
      %dma_wait3A_90 = arith.constant 0 : i32
      %dma_wait3A_91 = tpu.memref_slice %arg7[%add3A_85, %dma_wait3A_90] : memref<40x128xi32, #tpu.memory_space<vmem>> -> memref<1x128xi32, #tpu.memory_space<vmem>>
      %dma_wait3A_92 = tpu.memref_squeeze %dma_wait3A_91 : memref<1x128xi32, #tpu.memory_space<vmem>> -> memref<128xi32, #tpu.memory_space<vmem>>
      %dma_wait3A_93 = arith.constant 0 : i32
      %dma_wait3A_94 = arith.constant 0 : i32
      %dma_wait3A_95 = tpu.memref_slice %arg2[%dma_wait3A_93, %dma_wait3A_94] : memref<10240x128xf32, #tpu.memory_space<hbm>> -> memref<10240x128xf32, #tpu.memory_space<hbm>>
      tpu.wait_indirect_dma semaphore(%arg11 : memref<!tpu.dma_semaphore, #tpu.memory_space<semaphore_mem>>) src(%dma_wait3A_95 : memref<10240x128xf32, #tpu.memory_space<hbm>>) dst(%dma_wait3A_89 : memref<128x128xf32, #tpu.memory_space<vmem>>)
      %run_scoped3A = arith.constant 0 : i32
      "tpu.region"() ({
        %run_scoped3A_125 = tpu.sem_alloc : memref<!tpu.dma_semaphore, #tpu.memory_space<semaphore_mem>>
        %dma_start3A_126 = arith.constant 0 : i32
        %dma_start3A_127 = arith.constant 0 : i32
        %dma_start3A_128 = tpu.memref_slice %arg9[%run_scoped3A, %dma_start3A_126, %dma_start3A_127] : memref<2x128x128xf32, #tpu.memory_space<vmem>> -> memref<1x128x128xf32, #tpu.memory_space<vmem>>
        %dma_start3A_129 = tpu.memref_squeeze %dma_start3A_128 : memref<1x128x128xf32, #tpu.memory_space<vmem>> -> memref<128x128xf32, #tpu.memory_space<vmem>>
        %dma_start3A_130 = arith.constant 0 : i32
        %dma_start3A_131 = tpu.memref_slice %arg8[%add3A_85, %dma_start3A_130] : memref<40x128xi32, #tpu.memory_space<vmem>> -> memref<1x128xi32, #tpu.memory_space<vmem>>
        %dma_start3A_132 = tpu.memref_squeeze %dma_start3A_131 : memref<1x128xi32, #tpu.memory_space<vmem>> -> memref<128xi32, #tpu.memory_space<vmem>>
        %dma_start3A_133 = arith.constant 0 : i32
        %dma_start3A_134 = arith.constant 0 : i32
        %dma_start3A_135 = tpu.memref_slice %arg10[%dma_start3A_133, %dma_start3A_134] : memref<10240x128xf32, #tpu.memory_space<vmem_shared>> -> memref<10240x128xf32, #tpu.memory_space<vmem_shared>>
        tpu.enqueue_indirect_dma source(%dma_start3A_129 : memref<128x128xf32, #tpu.memory_space<vmem>>) target(%dma_start3A_135 : memref<10240x128xf32, #tpu.memory_space<vmem_shared>>) offsets(%dma_start3A_132 : memref<128xi32, #tpu.memory_space<vmem>>) semaphore(%run_scoped3A_125 : memref<!tpu.dma_semaphore, #tpu.memory_space<semaphore_mem>>) {add = true}
        %dma_wait3A_136 = arith.constant 0 : i32
        %dma_wait3A_137 = arith.constant 0 : i32
        %dma_wait3A_138 = tpu.memref_slice %arg9[%run_scoped3A, %dma_wait3A_136, %dma_wait3A_137] : memref<2x128x128xf32, #tpu.memory_space<vmem>> -> memref<1x128x128xf32, #tpu.memory_space<vmem>>
        %dma_wait3A_139 = tpu.memref_squeeze %dma_wait3A_138 : memref<1x128x128xf32, #tpu.memory_space<vmem>> -> memref<128x128xf32, #tpu.memory_space<vmem>>
        %dma_wait3A_140 = arith.constant 0 : i32
        %dma_wait3A_141 = tpu.memref_slice %arg8[%add3A_85, %dma_wait3A_140] : memref<40x128xi32, #tpu.memory_space<vmem>> -> memref<1x128xi32, #tpu.memory_space<vmem>>
        %dma_wait3A_142 = tpu.memref_squeeze %dma_wait3A_141 : memref<1x128xi32, #tpu.memory_space<vmem>> -> memref<128xi32, #tpu.memory_space<vmem>>
        %dma_wait3A_143 = arith.constant 0 : i32
        %dma_wait3A_144 = arith.constant 0 : i32
        %dma_wait3A_145 = tpu.memref_slice %arg10[%dma_wait3A_143, %dma_wait3A_144] : memref<10240x128xf32, #tpu.memory_space<vmem_shared>> -> memref<10240x128xf32, #tpu.memory_space<vmem_shared>>
        tpu.wait_indirect_dma semaphore(%run_scoped3A_125 : memref<!tpu.dma_semaphore, #tpu.memory_space<semaphore_mem>>) src(%dma_wait3A_139 : memref<128x128xf32, #tpu.memory_space<vmem>>) dst(%dma_wait3A_145 : memref<10240x128xf32, #tpu.memory_space<vmem_shared>>)
        tpu.yield
      }) : () -> ()
      %add3A_96 = arith.constant 2 : i32
      %add3A_97 = arith.addi %add3A_85, %add3A_96 : i32
      %lt3A = arith.constant 40 : i32
      %lt3A_98 = arith.cmpi slt, %add3A_97, %lt3A : i32
      %convert_element_type3A_99 = arith.extui %lt3A_98 : i1 to i32
      %cond3A_100 = arith.constant 0 : i32
      %cond3A_101 = arith.cmpi ne, %convert_element_type3A_99, %cond3A_100 : i32
      scf.if %cond3A_101 {
        %add3A_125 = arith.constant 2 : i32
        %add3A_126 = arith.addi %add3A_85, %add3A_125 : i32
        %dma_start3A_127 = arith.constant 0 : i32
        %dma_start3A_128 = arith.constant 0 : i32
        %dma_start3A_129 = arith.constant 0 : i32
        %dma_start3A_130 = tpu.memref_slice %arg9[%dma_start3A_127, %dma_start3A_128, %dma_start3A_129] : memref<2x128x128xf32, #tpu.memory_space<vmem>> -> memref<1x128x128xf32, #tpu.memory_space<vmem>>
        %dma_start3A_131 = tpu.memref_squeeze %dma_start3A_130 : memref<1x128x128xf32, #tpu.memory_space<vmem>> -> memref<128x128xf32, #tpu.memory_space<vmem>>
        %dma_start3A_132 = arith.constant 0 : i32
        %dma_start3A_133 = tpu.memref_slice %arg7[%add3A_126, %dma_start3A_132] : memref<40x128xi32, #tpu.memory_space<vmem>> -> memref<1x128xi32, #tpu.memory_space<vmem>>
        %dma_start3A_134 = tpu.memref_squeeze %dma_start3A_133 : memref<1x128xi32, #tpu.memory_space<vmem>> -> memref<128xi32, #tpu.memory_space<vmem>>
        %dma_start3A_135 = arith.constant 0 : i32
        %dma_start3A_136 = arith.constant 0 : i32
        %dma_start3A_137 = tpu.memref_slice %arg2[%dma_start3A_135, %dma_start3A_136] : memref<10240x128xf32, #tpu.memory_space<hbm>> -> memref<10240x128xf32, #tpu.memory_space<hbm>>
        tpu.enqueue_indirect_dma source(%dma_start3A_137 : memref<10240x128xf32, #tpu.memory_space<hbm>>) target(%dma_start3A_131 : memref<128x128xf32, #tpu.memory_space<vmem>>) offsets(%dma_start3A_134 : memref<128xi32, #tpu.memory_space<vmem>>) semaphore(%arg11 : memref<!tpu.dma_semaphore, #tpu.memory_space<semaphore_mem>>)
      } else {
      }
      %mul3A_102 = arith.constant 2 : i32
      %mul3A_103 = arith.muli %add3A_81, %mul3A_102 : i32
      %add3A_104 = arith.constant 1 : i32
      %add3A_105 = arith.addi %mul3A_103, %add3A_104 : i32
      %dma_wait3A_106 = arith.constant 1 : i32
      %dma_wait3A_107 = arith.constant 0 : i32
      %dma_wait3A_108 = arith.constant 0 : i32
      %dma_wait3A_109 = tpu.memref_slice %arg9[%dma_wait3A_106, %dma_wait3A_107, %dma_wait3A_108] : memref<2x128x128xf32, #tpu.memory_space<vmem>> -> memref<1x128x128xf32, #tpu.memory_space<vmem>>
      %dma_wait3A_110 = tpu.memref_squeeze %dma_wait3A_109 : memref<1x128x128xf32, #tpu.memory_space<vmem>> -> memref<128x128xf32, #tpu.memory_space<vmem>>
      %dma_wait3A_111 = arith.constant 0 : i32
      %dma_wait3A_112 = tpu.memref_slice %arg7[%add3A_105, %dma_wait3A_111] : memref<40x128xi32, #tpu.memory_space<vmem>> -> memref<1x128xi32, #tpu.memory_space<vmem>>
      %dma_wait3A_113 = tpu.memref_squeeze %dma_wait3A_112 : memref<1x128xi32, #tpu.memory_space<vmem>> -> memref<128xi32, #tpu.memory_space<vmem>>
      %dma_wait3A_114 = arith.constant 0 : i32
      %dma_wait3A_115 = arith.constant 0 : i32
      %dma_wait3A_116 = tpu.memref_slice %arg2[%dma_wait3A_114, %dma_wait3A_115] : memref<10240x128xf32, #tpu.memory_space<hbm>> -> memref<10240x128xf32, #tpu.memory_space<hbm>>
      tpu.wait_indirect_dma semaphore(%arg11 : memref<!tpu.dma_semaphore, #tpu.memory_space<semaphore_mem>>) src(%dma_wait3A_116 : memref<10240x128xf32, #tpu.memory_space<hbm>>) dst(%dma_wait3A_110 : memref<128x128xf32, #tpu.memory_space<vmem>>)
      %run_scoped3A_117 = arith.constant 1 : i32
      "tpu.region"() ({
        %run_scoped3A_125 = tpu.sem_alloc : memref<!tpu.dma_semaphore, #tpu.memory_space<semaphore_mem>>
        %dma_start3A_126 = arith.constant 0 : i32
        %dma_start3A_127 = arith.constant 0 : i32
        %dma_start3A_128 = tpu.memref_slice %arg9[%run_scoped3A_117, %dma_start3A_126, %dma_start3A_127] : memref<2x128x128xf32, #tpu.memory_space<vmem>> -> memref<1x128x128xf32, #tpu.memory_space<vmem>>
        %dma_start3A_129 = tpu.memref_squeeze %dma_start3A_128 : memref<1x128x128xf32, #tpu.memory_space<vmem>> -> memref<128x128xf32, #tpu.memory_space<vmem>>
        %dma_start3A_130 = arith.constant 0 : i32
        %dma_start3A_131 = tpu.memref_slice %arg8[%add3A_105, %dma_start3A_130] : memref<40x128xi32, #tpu.memory_space<vmem>> -> memref<1x128xi32, #tpu.memory_space<vmem>>
        %dma_start3A_132 = tpu.memref_squeeze %dma_start3A_131 : memref<1x128xi32, #tpu.memory_space<vmem>> -> memref<128xi32, #tpu.memory_space<vmem>>
        %dma_start3A_133 = arith.constant 0 : i32
        %dma_start3A_134 = arith.constant 0 : i32
        %dma_start3A_135 = tpu.memref_slice %arg10[%dma_start3A_133, %dma_start3A_134] : memref<10240x128xf32, #tpu.memory_space<vmem_shared>> -> memref<10240x128xf32, #tpu.memory_space<vmem_shared>>
        tpu.enqueue_indirect_dma source(%dma_start3A_129 : memref<128x128xf32, #tpu.memory_space<vmem>>) target(%dma_start3A_135 : memref<10240x128xf32, #tpu.memory_space<vmem_shared>>) offsets(%dma_start3A_132 : memref<128xi32, #tpu.memory_space<vmem>>) semaphore(%run_scoped3A_125 : memref<!tpu.dma_semaphore, #tpu.memory_space<semaphore_mem>>) {add = true}
        %dma_wait3A_136 = arith.constant 0 : i32
        %dma_wait3A_137 = arith.constant 0 : i32
        %dma_wait3A_138 = tpu.memref_slice %arg9[%run_scoped3A_117, %dma_wait3A_136, %dma_wait3A_137] : memref<2x128x128xf32, #tpu.memory_space<vmem>> -> memref<1x128x128xf32, #tpu.memory_space<vmem>>
        %dma_wait3A_139 = tpu.memref_squeeze %dma_wait3A_138 : memref<1x128x128xf32, #tpu.memory_space<vmem>> -> memref<128x128xf32, #tpu.memory_space<vmem>>
        %dma_wait3A_140 = arith.constant 0 : i32
        %dma_wait3A_141 = tpu.memref_slice %arg8[%add3A_105, %dma_wait3A_140] : memref<40x128xi32, #tpu.memory_space<vmem>> -> memref<1x128xi32, #tpu.memory_space<vmem>>
        %dma_wait3A_142 = tpu.memref_squeeze %dma_wait3A_141 : memref<1x128xi32, #tpu.memory_space<vmem>> -> memref<128xi32, #tpu.memory_space<vmem>>
        %dma_wait3A_143 = arith.constant 0 : i32
        %dma_wait3A_144 = arith.constant 0 : i32
        %dma_wait3A_145 = tpu.memref_slice %arg10[%dma_wait3A_143, %dma_wait3A_144] : memref<10240x128xf32, #tpu.memory_space<vmem_shared>> -> memref<10240x128xf32, #tpu.memory_space<vmem_shared>>
        tpu.wait_indirect_dma semaphore(%run_scoped3A_125 : memref<!tpu.dma_semaphore, #tpu.memory_space<semaphore_mem>>) src(%dma_wait3A_139 : memref<128x128xf32, #tpu.memory_space<vmem>>) dst(%dma_wait3A_145 : memref<10240x128xf32, #tpu.memory_space<vmem_shared>>)
        tpu.yield
      }) : () -> ()
      %add3A_118 = arith.constant 2 : i32
      %add3A_119 = arith.addi %add3A_105, %add3A_118 : i32
      %lt3A_120 = arith.constant 40 : i32
      %lt3A_121 = arith.cmpi slt, %add3A_119, %lt3A_120 : i32
      %convert_element_type3A_122 = arith.extui %lt3A_121 : i1 to i32
      %cond3A_123 = arith.constant 0 : i32
      %cond3A_124 = arith.cmpi ne, %convert_element_type3A_122, %cond3A_123 : i32
      scf.if %cond3A_124 {
        %add3A_125 = arith.constant 2 : i32
        %add3A_126 = arith.addi %add3A_105, %add3A_125 : i32
        %dma_start3A_127 = arith.constant 1 : i32
        %dma_start3A_128 = arith.constant 0 : i32
        %dma_start3A_129 = arith.constant 0 : i32
        %dma_start3A_130 = tpu.memref_slice %arg9[%dma_start3A_127, %dma_start3A_128, %dma_start3A_129] : memref<2x128x128xf32, #tpu.memory_space<vmem>> -> memref<1x128x128xf32, #tpu.memory_space<vmem>>
        %dma_start3A_131 = tpu.memref_squeeze %dma_start3A_130 : memref<1x128x128xf32, #tpu.memory_space<vmem>> -> memref<128x128xf32, #tpu.memory_space<vmem>>
        %dma_start3A_132 = arith.constant 0 : i32
        %dma_start3A_133 = tpu.memref_slice %arg7[%add3A_126, %dma_start3A_132] : memref<40x128xi32, #tpu.memory_space<vmem>> -> memref<1x128xi32, #tpu.memory_space<vmem>>
        %dma_start3A_134 = tpu.memref_squeeze %dma_start3A_133 : memref<1x128xi32, #tpu.memory_space<vmem>> -> memref<128xi32, #tpu.memory_space<vmem>>
        %dma_start3A_135 = arith.constant 0 : i32
        %dma_start3A_136 = arith.constant 0 : i32
        %dma_start3A_137 = tpu.memref_slice %arg2[%dma_start3A_135, %dma_start3A_136] : memref<10240x128xf32, #tpu.memory_space<hbm>> -> memref<10240x128xf32, #tpu.memory_space<hbm>>
        tpu.enqueue_indirect_dma source(%dma_start3A_137 : memref<10240x128xf32, #tpu.memory_space<hbm>>) target(%dma_start3A_131 : memref<128x128xf32, #tpu.memory_space<vmem>>) offsets(%dma_start3A_134 : memref<128xi32, #tpu.memory_space<vmem>>) semaphore(%arg11 : memref<!tpu.dma_semaphore, #tpu.memory_space<semaphore_mem>>)
      } else {
      }
    }
    %scan3A_38 = arith.constant 20 : i32
    %mul3A_39 = arith.constant 80 : i32
    %mul3A_40 = arith.muli %add3A, %mul3A_39 : i32
    %add3A_41 = arith.constant 40 : i32
    %add3A_42 = arith.addi %mul3A_40, %add3A_41 : i32
    "tpu.region"() ({
      %run_scoped3A = tpu.sem_alloc : memref<!tpu.dma_semaphore, #tpu.memory_space<semaphore_mem>>
      %dma_start3A_77 = arith.constant 0 : i32
      %dma_start3A_78 = tpu.memref_slice %arg3[%add3A_42, %dma_start3A_77] : memref<2560x128xi32, #tpu.memory_space<hbm>> -> memref<40x128xi32, #tpu.memory_space<hbm>>
      %dma_start3A_79 = arith.constant 0 : i32
      %dma_start3A_80 = tpu.memref_slice %arg3[%add3A_42, %dma_start3A_79] : memref<2560x128xi32, #tpu.memory_space<hbm>> -> memref<40x128xi32, #tpu.memory_space<hbm>>
      tpu.enqueue_dma source(%dma_start3A_80 : memref<40x128xi32, #tpu.memory_space<hbm>>) target(%arg7 : memref<40x128xi32, #tpu.memory_space<vmem>>) target_semaphore(%run_scoped3A : memref<!tpu.dma_semaphore, #tpu.memory_space<semaphore_mem>>)
      %dma_wait3A = arith.constant 0 : i32
      %dma_wait3A_81 = tpu.memref_slice %arg3[%add3A_42, %dma_wait3A] : memref<2560x128xi32, #tpu.memory_space<hbm>> -> memref<40x128xi32, #tpu.memory_space<hbm>>
      %dma_wait3A_82 = arith.constant 0 : i32
      %dma_wait3A_83 = tpu.memref_slice %arg3[%add3A_42, %dma_wait3A_82] : memref<2560x128xi32, #tpu.memory_space<hbm>> -> memref<40x128xi32, #tpu.memory_space<hbm>>
      tpu.wait_dma2 semaphore(%run_scoped3A : memref<!tpu.dma_semaphore, #tpu.memory_space<semaphore_mem>>) src(%dma_wait3A_83 : memref<40x128xi32, #tpu.memory_space<hbm>>) dst(%arg7 : memref<40x128xi32, #tpu.memory_space<vmem>>)
      tpu.yield
    }) : () -> ()
    "tpu.region"() ({
      %run_scoped3A = tpu.sem_alloc : memref<!tpu.dma_semaphore, #tpu.memory_space<semaphore_mem>>
      %dma_start3A_77 = arith.constant 0 : i32
      %dma_start3A_78 = tpu.memref_slice %arg4[%add3A_42, %dma_start3A_77] : memref<2560x128xi32, #tpu.memory_space<hbm>> -> memref<40x128xi32, #tpu.memory_space<hbm>>
      %dma_start3A_79 = arith.constant 0 : i32
      %dma_start3A_80 = tpu.memref_slice %arg4[%add3A_42, %dma_start3A_79] : memref<2560x128xi32, #tpu.memory_space<hbm>> -> memref<40x128xi32, #tpu.memory_space<hbm>>
      tpu.enqueue_dma source(%dma_start3A_80 : memref<40x128xi32, #tpu.memory_space<hbm>>) target(%arg8 : memref<40x128xi32, #tpu.memory_space<vmem>>) target_semaphore(%run_scoped3A : memref<!tpu.dma_semaphore, #tpu.memory_space<semaphore_mem>>)
      %dma_wait3A = arith.constant 0 : i32
      %dma_wait3A_81 = tpu.memref_slice %arg4[%add3A_42, %dma_wait3A] : memref<2560x128xi32, #tpu.memory_space<hbm>> -> memref<40x128xi32, #tpu.memory_space<hbm>>
      %dma_wait3A_82 = arith.constant 0 : i32
      %dma_wait3A_83 = tpu.memref_slice %arg4[%add3A_42, %dma_wait3A_82] : memref<2560x128xi32, #tpu.memory_space<hbm>> -> memref<40x128xi32, #tpu.memory_space<hbm>>
      tpu.wait_dma2 semaphore(%run_scoped3A : memref<!tpu.dma_semaphore, #tpu.memory_space<semaphore_mem>>) src(%dma_wait3A_83 : memref<40x128xi32, #tpu.memory_space<hbm>>) dst(%arg8 : memref<40x128xi32, #tpu.memory_space<vmem>>)
      tpu.yield
    }) : () -> ()
    %dma_start3A_43 = arith.constant 0 : i32
    %dma_start3A_44 = arith.constant 0 : i32
    %dma_start3A_45 = arith.constant 0 : i32
    %dma_start3A_46 = arith.constant 0 : i32
    %dma_start3A_47 = tpu.memref_slice %arg9[%dma_start3A_44, %dma_start3A_45, %dma_start3A_46] : memref<2x128x128xf32, #tpu.memory_space<vmem>> -> memref<1x128x128xf32, #tpu.memory_space<vmem>>
    %dma_start3A_48 = tpu.memref_squeeze %dma_start3A_47 : memref<1x128x128xf32, #tpu.memory_space<vmem>> -> memref<128x128xf32, #tpu.memory_space<vmem>>
    %dma_start3A_49 = arith.constant 0 : i32
    %dma_start3A_50 = tpu.memref_slice %arg7[%dma_start3A_43, %dma_start3A_49] : memref<40x128xi32, #tpu.memory_space<vmem>> -> memref<1x128xi32, #tpu.memory_space<vmem>>
    %dma_start3A_51 = tpu.memref_squeeze %dma_start3A_50 : memref<1x128xi32, #tpu.memory_space<vmem>> -> memref<128xi32, #tpu.memory_space<vmem>>
    %dma_start3A_52 = arith.constant 0 : i32
    %dma_start3A_53 = arith.constant 0 : i32
    %dma_start3A_54 = tpu.memref_slice %arg2[%dma_start3A_52, %dma_start3A_53] : memref<10240x128xf32, #tpu.memory_space<hbm>> -> memref<10240x128xf32, #tpu.memory_space<hbm>>
    tpu.enqueue_indirect_dma source(%dma_start3A_54 : memref<10240x128xf32, #tpu.memory_space<hbm>>) target(%dma_start3A_48 : memref<128x128xf32, #tpu.memory_space<vmem>>) offsets(%dma_start3A_51 : memref<128xi32, #tpu.memory_space<vmem>>) semaphore(%arg11 : memref<!tpu.dma_semaphore, #tpu.memory_space<semaphore_mem>>)
    %dma_start3A_55 = arith.constant 1 : i32
    %dma_start3A_56 = arith.constant 1 : i32
    %dma_start3A_57 = arith.constant 0 : i32
    %dma_start3A_58 = arith.constant 0 : i32
    %dma_start3A_59 = tpu.memref_slice %arg9[%dma_start3A_56, %dma_start3A_57, %dma_start3A_58] : memref<2x128x128xf32, #tpu.memory_space<vmem>> -> memref<1x128x128xf32, #tpu.memory_space<vmem>>
    %dma_start3A_60 = tpu.memref_squeeze %dma_start3A_59 : memref<1x128x128xf32, #tpu.memory_space<vmem>> -> memref<128x128xf32, #tpu.memory_space<vmem>>
    %dma_start3A_61 = arith.constant 0 : i32
    %dma_start3A_62 = tpu.memref_slice %arg7[%dma_start3A_55, %dma_start3A_61] : memref<40x128xi32, #tpu.memory_space<vmem>> -> memref<1x128xi32, #tpu.memory_space<vmem>>
    %dma_start3A_63 = tpu.memref_squeeze %dma_start3A_62 : memref<1x128xi32, #tpu.memory_space<vmem>> -> memref<128xi32, #tpu.memory_space<vmem>>
    %dma_start3A_64 = arith.constant 0 : i32
    %dma_start3A_65 = arith.constant 0 : i32
    %dma_start3A_66 = tpu.memref_slice %arg2[%dma_start3A_64, %dma_start3A_65] : memref<10240x128xf32, #tpu.memory_space<hbm>> -> memref<10240x128xf32, #tpu.memory_space<hbm>>
    tpu.enqueue_indirect_dma source(%dma_start3A_66 : memref<10240x128xf32, #tpu.memory_space<hbm>>) target(%dma_start3A_60 : memref<128x128xf32, #tpu.memory_space<vmem>>) offsets(%dma_start3A_63 : memref<128xi32, #tpu.memory_space<vmem>>) semaphore(%arg11 : memref<!tpu.dma_semaphore, #tpu.memory_space<semaphore_mem>>)
    %scan3A_67 = arith.constant 0 : i32
    %scan3A_68 = arith.constant 20 : i32
    %scan3A_69 = arith.addi %scan3A_67, %scan3A_68 : i32
    %scan3A_70 = arith.constant 1 : i32
    scf.for %scan3A_77 = %scan3A_67 to %scan3A_69 step %scan3A_70  : i32 {
      %mul3A_78 = arith.constant 1 : i32
      %mul3A_79 = arith.muli %scan3A_77, %mul3A_78 : i32
      %add3A_80 = arith.constant 0 : i32
      %add3A_81 = arith.addi %add3A_80, %mul3A_79 : i32
      %mul3A_82 = arith.constant 2 : i32
      %mul3A_83 = arith.muli %add3A_81, %mul3A_82 : i32
      %add3A_84 = arith.constant 0 : i32
      %add3A_85 = arith.addi %mul3A_83, %add3A_84 : i32
      %dma_wait3A = arith.constant 0 : i32
      %dma_wait3A_86 = arith.constant 0 : i32
      %dma_wait3A_87 = arith.constant 0 : i32
      %dma_wait3A_88 = tpu.memref_slice %arg9[%dma_wait3A, %dma_wait3A_86, %dma_wait3A_87] : memref<2x128x128xf32, #tpu.memory_space<vmem>> -> memref<1x128x128xf32, #tpu.memory_space<vmem>>
      %dma_wait3A_89 = tpu.memref_squeeze %dma_wait3A_88 : memref<1x128x128xf32, #tpu.memory_space<vmem>> -> memref<128x128xf32, #tpu.memory_space<vmem>>
      %dma_wait3A_90 = arith.constant 0 : i32
      %dma_wait3A_91 = tpu.memref_slice %arg7[%add3A_85, %dma_wait3A_90] : memref<40x128xi32, #tpu.memory_space<vmem>> -> memref<1x128xi32, #tpu.memory_space<vmem>>
      %dma_wait3A_92 = tpu.memref_squeeze %dma_wait3A_91 : memref<1x128xi32, #tpu.memory_space<vmem>> -> memref<128xi32, #tpu.memory_space<vmem>>
      %dma_wait3A_93 = arith.constant 0 : i32
      %dma_wait3A_94 = arith.constant 0 : i32
      %dma_wait3A_95 = tpu.memref_slice %arg2[%dma_wait3A_93, %dma_wait3A_94] : memref<10240x128xf32, #tpu.memory_space<hbm>> -> memref<10240x128xf32, #tpu.memory_space<hbm>>
      tpu.wait_indirect_dma semaphore(%arg11 : memref<!tpu.dma_semaphore, #tpu.memory_space<semaphore_mem>>) src(%dma_wait3A_95 : memref<10240x128xf32, #tpu.memory_space<hbm>>) dst(%dma_wait3A_89 : memref<128x128xf32, #tpu.memory_space<vmem>>)
      %run_scoped3A = arith.constant 0 : i32
      "tpu.region"() ({
        %run_scoped3A_125 = tpu.sem_alloc : memref<!tpu.dma_semaphore, #tpu.memory_space<semaphore_mem>>
        %dma_start3A_126 = arith.constant 0 : i32
        %dma_start3A_127 = arith.constant 0 : i32
        %dma_start3A_128 = tpu.memref_slice %arg9[%run_scoped3A, %dma_start3A_126, %dma_start3A_127] : memref<2x128x128xf32, #tpu.memory_space<vmem>> -> memref<1x128x128xf32, #tpu.memory_space<vmem>>
        %dma_start3A_129 = tpu.memref_squeeze %dma_start3A_128 : memref<1x128x128xf32, #tpu.memory_space<vmem>> -> memref<128x128xf32, #tpu.memory_space<vmem>>
        %dma_start3A_130 = arith.constant 0 : i32
        %dma_start3A_131 = tpu.memref_slice %arg8[%add3A_85, %dma_start3A_130] : memref<40x128xi32, #tpu.memory_space<vmem>> -> memref<1x128xi32, #tpu.memory_space<vmem>>
        %dma_start3A_132 = tpu.memref_squeeze %dma_start3A_131 : memref<1x128xi32, #tpu.memory_space<vmem>> -> memref<128xi32, #tpu.memory_space<vmem>>
        %dma_start3A_133 = arith.constant 0 : i32
        %dma_start3A_134 = arith.constant 0 : i32
        %dma_start3A_135 = tpu.memref_slice %arg10[%dma_start3A_133, %dma_start3A_134] : memref<10240x128xf32, #tpu.memory_space<vmem_shared>> -> memref<10240x128xf32, #tpu.memory_space<vmem_shared>>
        tpu.enqueue_indirect_dma source(%dma_start3A_129 : memref<128x128xf32, #tpu.memory_space<vmem>>) target(%dma_start3A_135 : memref<10240x128xf32, #tpu.memory_space<vmem_shared>>) offsets(%dma_start3A_132 : memref<128xi32, #tpu.memory_space<vmem>>) semaphore(%run_scoped3A_125 : memref<!tpu.dma_semaphore, #tpu.memory_space<semaphore_mem>>) {add = true}
        %dma_wait3A_136 = arith.constant 0 : i32
        %dma_wait3A_137 = arith.constant 0 : i32
        %dma_wait3A_138 = tpu.memref_slice %arg9[%run_scoped3A, %dma_wait3A_136, %dma_wait3A_137] : memref<2x128x128xf32, #tpu.memory_space<vmem>> -> memref<1x128x128xf32, #tpu.memory_space<vmem>>
        %dma_wait3A_139 = tpu.memref_squeeze %dma_wait3A_138 : memref<1x128x128xf32, #tpu.memory_space<vmem>> -> memref<128x128xf32, #tpu.memory_space<vmem>>
        %dma_wait3A_140 = arith.constant 0 : i32
        %dma_wait3A_141 = tpu.memref_slice %arg8[%add3A_85, %dma_wait3A_140] : memref<40x128xi32, #tpu.memory_space<vmem>> -> memref<1x128xi32, #tpu.memory_space<vmem>>
        %dma_wait3A_142 = tpu.memref_squeeze %dma_wait3A_141 : memref<1x128xi32, #tpu.memory_space<vmem>> -> memref<128xi32, #tpu.memory_space<vmem>>
        %dma_wait3A_143 = arith.constant 0 : i32
        %dma_wait3A_144 = arith.constant 0 : i32
        %dma_wait3A_145 = tpu.memref_slice %arg10[%dma_wait3A_143, %dma_wait3A_144] : memref<10240x128xf32, #tpu.memory_space<vmem_shared>> -> memref<10240x128xf32, #tpu.memory_space<vmem_shared>>
        tpu.wait_indirect_dma semaphore(%run_scoped3A_125 : memref<!tpu.dma_semaphore, #tpu.memory_space<semaphore_mem>>) src(%dma_wait3A_139 : memref<128x128xf32, #tpu.memory_space<vmem>>) dst(%dma_wait3A_145 : memref<10240x128xf32, #tpu.memory_space<vmem_shared>>)
        tpu.yield
      }) : () -> ()
      %add3A_96 = arith.constant 2 : i32
      %add3A_97 = arith.addi %add3A_85, %add3A_96 : i32
      %lt3A = arith.constant 40 : i32
      %lt3A_98 = arith.cmpi slt, %add3A_97, %lt3A : i32
      %convert_element_type3A_99 = arith.extui %lt3A_98 : i1 to i32
      %cond3A_100 = arith.constant 0 : i32
      %cond3A_101 = arith.cmpi ne, %convert_element_type3A_99, %cond3A_100 : i32
      scf.if %cond3A_101 {
        %add3A_125 = arith.constant 2 : i32
        %add3A_126 = arith.addi %add3A_85, %add3A_125 : i32
        %dma_start3A_127 = arith.constant 0 : i32
        %dma_start3A_128 = arith.constant 0 : i32
        %dma_start3A_129 = arith.constant 0 : i32
        %dma_start3A_130 = tpu.memref_slice %arg9[%dma_start3A_127, %dma_start3A_128, %dma_start3A_129] : memref<2x128x128xf32, #tpu.memory_space<vmem>> -> memref<1x128x128xf32, #tpu.memory_space<vmem>>
        %dma_start3A_131 = tpu.memref_squeeze %dma_start3A_130 : memref<1x128x128xf32, #tpu.memory_space<vmem>> -> memref<128x128xf32, #tpu.memory_space<vmem>>
        %dma_start3A_132 = arith.constant 0 : i32
        %dma_start3A_133 = tpu.memref_slice %arg7[%add3A_126, %dma_start3A_132] : memref<40x128xi32, #tpu.memory_space<vmem>> -> memref<1x128xi32, #tpu.memory_space<vmem>>
        %dma_start3A_134 = tpu.memref_squeeze %dma_start3A_133 : memref<1x128xi32, #tpu.memory_space<vmem>> -> memref<128xi32, #tpu.memory_space<vmem>>
        %dma_start3A_135 = arith.constant 0 : i32
        %dma_start3A_136 = arith.constant 0 : i32
        %dma_start3A_137 = tpu.memref_slice %arg2[%dma_start3A_135, %dma_start3A_136] : memref<10240x128xf32, #tpu.memory_space<hbm>> -> memref<10240x128xf32, #tpu.memory_space<hbm>>
        tpu.enqueue_indirect_dma source(%dma_start3A_137 : memref<10240x128xf32, #tpu.memory_space<hbm>>) target(%dma_start3A_131 : memref<128x128xf32, #tpu.memory_space<vmem>>) offsets(%dma_start3A_134 : memref<128xi32, #tpu.memory_space<vmem>>) semaphore(%arg11 : memref<!tpu.dma_semaphore, #tpu.memory_space<semaphore_mem>>)
      } else {
      }
      %mul3A_102 = arith.constant 2 : i32
      %mul3A_103 = arith.muli %add3A_81, %mul3A_102 : i32
      %add3A_104 = arith.constant 1 : i32
      %add3A_105 = arith.addi %mul3A_103, %add3A_104 : i32
      %dma_wait3A_106 = arith.constant 1 : i32
      %dma_wait3A_107 = arith.constant 0 : i32
      %dma_wait3A_108 = arith.constant 0 : i32
      %dma_wait3A_109 = tpu.memref_slice %arg9[%dma_wait3A_106, %dma_wait3A_107, %dma_wait3A_108] : memref<2x128x128xf32, #tpu.memory_space<vmem>> -> memref<1x128x128xf32, #tpu.memory_space<vmem>>
      %dma_wait3A_110 = tpu.memref_squeeze %dma_wait3A_109 : memref<1x128x128xf32, #tpu.memory_space<vmem>> -> memref<128x128xf32, #tpu.memory_space<vmem>>
      %dma_wait3A_111 = arith.constant 0 : i32
      %dma_wait3A_112 = tpu.memref_slice %arg7[%add3A_105, %dma_wait3A_111] : memref<40x128xi32, #tpu.memory_space<vmem>> -> memref<1x128xi32, #tpu.memory_space<vmem>>
      %dma_wait3A_113 = tpu.memref_squeeze %dma_wait3A_112 : memref<1x128xi32, #tpu.memory_space<vmem>> -> memref<128xi32, #tpu.memory_space<vmem>>
      %dma_wait3A_114 = arith.constant 0 : i32
      %dma_wait3A_115 = arith.constant 0 : i32
      %dma_wait3A_116 = tpu.memref_slice %arg2[%dma_wait3A_114, %dma_wait3A_115] : memref<10240x128xf32, #tpu.memory_space<hbm>> -> memref<10240x128xf32, #tpu.memory_space<hbm>>
      tpu.wait_indirect_dma semaphore(%arg11 : memref<!tpu.dma_semaphore, #tpu.memory_space<semaphore_mem>>) src(%dma_wait3A_116 : memref<10240x128xf32, #tpu.memory_space<hbm>>) dst(%dma_wait3A_110 : memref<128x128xf32, #tpu.memory_space<vmem>>)
      %run_scoped3A_117 = arith.constant 1 : i32
      "tpu.region"() ({
        %run_scoped3A_125 = tpu.sem_alloc : memref<!tpu.dma_semaphore, #tpu.memory_space<semaphore_mem>>
        %dma_start3A_126 = arith.constant 0 : i32
        %dma_start3A_127 = arith.constant 0 : i32
        %dma_start3A_128 = tpu.memref_slice %arg9[%run_scoped3A_117, %dma_start3A_126, %dma_start3A_127] : memref<2x128x128xf32, #tpu.memory_space<vmem>> -> memref<1x128x128xf32, #tpu.memory_space<vmem>>
        %dma_start3A_129 = tpu.memref_squeeze %dma_start3A_128 : memref<1x128x128xf32, #tpu.memory_space<vmem>> -> memref<128x128xf32, #tpu.memory_space<vmem>>
        %dma_start3A_130 = arith.constant 0 : i32
        %dma_start3A_131 = tpu.memref_slice %arg8[%add3A_105, %dma_start3A_130] : memref<40x128xi32, #tpu.memory_space<vmem>> -> memref<1x128xi32, #tpu.memory_space<vmem>>
        %dma_start3A_132 = tpu.memref_squeeze %dma_start3A_131 : memref<1x128xi32, #tpu.memory_space<vmem>> -> memref<128xi32, #tpu.memory_space<vmem>>
        %dma_start3A_133 = arith.constant 0 : i32
        %dma_start3A_134 = arith.constant 0 : i32
        %dma_start3A_135 = tpu.memref_slice %arg10[%dma_start3A_133, %dma_start3A_134] : memref<10240x128xf32, #tpu.memory_space<vmem_shared>> -> memref<10240x128xf32, #tpu.memory_space<vmem_shared>>
        tpu.enqueue_indirect_dma source(%dma_start3A_129 : memref<128x128xf32, #tpu.memory_space<vmem>>) target(%dma_start3A_135 : memref<10240x128xf32, #tpu.memory_space<vmem_shared>>) offsets(%dma_start3A_132 : memref<128xi32, #tpu.memory_space<vmem>>) semaphore(%run_scoped3A_125 : memref<!tpu.dma_semaphore, #tpu.memory_space<semaphore_mem>>) {add = true}
        %dma_wait3A_136 = arith.constant 0 : i32
        %dma_wait3A_137 = arith.constant 0 : i32
        %dma_wait3A_138 = tpu.memref_slice %arg9[%run_scoped3A_117, %dma_wait3A_136, %dma_wait3A_137] : memref<2x128x128xf32, #tpu.memory_space<vmem>> -> memref<1x128x128xf32, #tpu.memory_space<vmem>>
        %dma_wait3A_139 = tpu.memref_squeeze %dma_wait3A_138 : memref<1x128x128xf32, #tpu.memory_space<vmem>> -> memref<128x128xf32, #tpu.memory_space<vmem>>
        %dma_wait3A_140 = arith.constant 0 : i32
        %dma_wait3A_141 = tpu.memref_slice %arg8[%add3A_105, %dma_wait3A_140] : memref<40x128xi32, #tpu.memory_space<vmem>> -> memref<1x128xi32, #tpu.memory_space<vmem>>
        %dma_wait3A_142 = tpu.memref_squeeze %dma_wait3A_141 : memref<1x128xi32, #tpu.memory_space<vmem>> -> memref<128xi32, #tpu.memory_space<vmem>>
        %dma_wait3A_143 = arith.constant 0 : i32
        %dma_wait3A_144 = arith.constant 0 : i32
        %dma_wait3A_145 = tpu.memref_slice %arg10[%dma_wait3A_143, %dma_wait3A_144] : memref<10240x128xf32, #tpu.memory_space<vmem_shared>> -> memref<10240x128xf32, #tpu.memory_space<vmem_shared>>
        tpu.wait_indirect_dma semaphore(%run_scoped3A_125 : memref<!tpu.dma_semaphore, #tpu.memory_space<semaphore_mem>>) src(%dma_wait3A_139 : memref<128x128xf32, #tpu.memory_space<vmem>>) dst(%dma_wait3A_145 : memref<10240x128xf32, #tpu.memory_space<vmem_shared>>)
        tpu.yield
      }) : () -> ()
      %add3A_118 = arith.constant 2 : i32
      %add3A_119 = arith.addi %add3A_105, %add3A_118 : i32
      %lt3A_120 = arith.constant 40 : i32
      %lt3A_121 = arith.cmpi slt, %add3A_119, %lt3A_120 : i32
      %convert_element_type3A_122 = arith.extui %lt3A_121 : i1 to i32
      %cond3A_123 = arith.constant 0 : i32
      %cond3A_124 = arith.cmpi ne, %convert_element_type3A_122, %cond3A_123 : i32
      scf.if %cond3A_124 {
        %add3A_125 = arith.constant 2 : i32
        %add3A_126 = arith.addi %add3A_105, %add3A_125 : i32
        %dma_start3A_127 = arith.constant 1 : i32
        %dma_start3A_128 = arith.constant 0 : i32
        %dma_start3A_129 = arith.constant 0 : i32
        %dma_start3A_130 = tpu.memref_slice %arg9[%dma_start3A_127, %dma_start3A_128, %dma_start3A_129] : memref<2x128x128xf32, #tpu.memory_space<vmem>> -> memref<1x128x128xf32, #tpu.memory_space<vmem>>
        %dma_start3A_131 = tpu.memref_squeeze %dma_start3A_130 : memref<1x128x128xf32, #tpu.memory_space<vmem>> -> memref<128x128xf32, #tpu.memory_space<vmem>>
        %dma_start3A_132 = arith.constant 0 : i32
        %dma_start3A_133 = tpu.memref_slice %arg7[%add3A_126, %dma_start3A_132] : memref<40x128xi32, #tpu.memory_space<vmem>> -> memref<1x128xi32, #tpu.memory_space<vmem>>
        %dma_start3A_134 = tpu.memref_squeeze %dma_start3A_133 : memref<1x128xi32, #tpu.memory_space<vmem>> -> memref<128xi32, #tpu.memory_space<vmem>>
        %dma_start3A_135 = arith.constant 0 : i32
        %dma_start3A_136 = arith.constant 0 : i32
        %dma_start3A_137 = tpu.memref_slice %arg2[%dma_start3A_135, %dma_start3A_136] : memref<10240x128xf32, #tpu.memory_space<hbm>> -> memref<10240x128xf32, #tpu.memory_space<hbm>>
        tpu.enqueue_indirect_dma source(%dma_start3A_137 : memref<10240x128xf32, #tpu.memory_space<hbm>>) target(%dma_start3A_131 : memref<128x128xf32, #tpu.memory_space<vmem>>) offsets(%dma_start3A_134 : memref<128xi32, #tpu.memory_space<vmem>>) semaphore(%arg11 : memref<!tpu.dma_semaphore, #tpu.memory_space<semaphore_mem>>)
      } else {
      }
    }
    %scan3A_71 = arith.constant 20 : i32
    %barrier3A_72 = arith.constant 0 : index
    tpu.barrier barrier_id(%barrier3A_72)
    %mul3A_73 = arith.constant 640 : i32
    %mul3A_74 = arith.muli %arg1, %mul3A_73 : i32
    %mul3A_75 = arith.constant 640 : i32
    %mul3A_76 = arith.muli %arg1, %mul3A_75 : i32
    "tpu.region"() ({
      %run_scoped3A = tpu.sem_alloc : memref<!tpu.dma_semaphore, #tpu.memory_space<semaphore_mem>>
      %dma_start3A_77 = arith.constant 0 : i32
      %dma_start3A_78 = tpu.memref_slice %arg6[%arg0, %mul3A_76, %dma_start3A_77] : memref<2x10240x128xf32, #tpu.memory_space<hbm>> -> memref<1x640x128xf32, #tpu.memory_space<hbm>>
      %dma_start3A_79 = tpu.memref_squeeze %dma_start3A_78 : memref<1x640x128xf32, #tpu.memory_space<hbm>> -> memref<640x128xf32, #tpu.memory_space<hbm>>
      %dma_start3A_80 = arith.constant 0 : i32
      %dma_start3A_81 = tpu.memref_slice %arg10[%mul3A_74, %dma_start3A_80] : memref<10240x128xf32, #tpu.memory_space<vmem_shared>> -> memref<640x128xf32, #tpu.memory_space<vmem_shared>>
      tpu.enqueue_dma source(%dma_start3A_81 : memref<640x128xf32, #tpu.memory_space<vmem_shared>>) target(%dma_start3A_79 : memref<640x128xf32, #tpu.memory_space<hbm>>) target_semaphore(%run_scoped3A : memref<!tpu.dma_semaphore, #tpu.memory_space<semaphore_mem>>)
      %dma_wait3A = arith.constant 0 : i32
      %dma_wait3A_82 = tpu.memref_slice %arg6[%arg0, %mul3A_76, %dma_wait3A] : memref<2x10240x128xf32, #tpu.memory_space<hbm>> -> memref<1x640x128xf32, #tpu.memory_space<hbm>>
      %dma_wait3A_83 = tpu.memref_squeeze %dma_wait3A_82 : memref<1x640x128xf32, #tpu.memory_space<hbm>> -> memref<640x128xf32, #tpu.memory_space<hbm>>
      %dma_wait3A_84 = arith.constant 0 : i32
      %dma_wait3A_85 = tpu.memref_slice %arg10[%mul3A_74, %dma_wait3A_84] : memref<10240x128xf32, #tpu.memory_space<vmem_shared>> -> memref<640x128xf32, #tpu.memory_space<vmem_shared>>
      tpu.wait_dma2 semaphore(%run_scoped3A : memref<!tpu.dma_semaphore, #tpu.memory_space<semaphore_mem>>) src(%dma_wait3A_85 : memref<640x128xf32, #tpu.memory_space<vmem_shared>>) dst(%dma_wait3A_83 : memref<640x128xf32, #tpu.memory_space<hbm>>)
      tpu.yield
    }) : () -> ()
    return
  }
}

#map = affine_map<(d0, d1) -> (0, 0)>
#map1 = affine_map<(d0, d1) -> (0)>
module attributes {stable_mosaic.version = 14 : i64} {
  func.func @_deg_body(%arg0: i32, %arg1: i32, %arg2: memref<2560x128xi32, #tpu.memory_space<hbm>>, %arg3: memref<128xf32, #tpu.memory_space<hbm>>, %arg4: memref<640xf32, #tpu.memory_space<hbm>>, %arg5: memref<20480xf32, #tpu.memory_space<hbm>>, %arg6: memref<80x128xi32, #tpu.memory_space<vmem>>, %arg7: memref<128xf32, #tpu.memory_space<vmem>>, %arg8: memref<10240xf32, #tpu.memory_space<vmem_shared>>) attributes {dimension_semantics = [#tpu.dimension_semantics<core_parallel>, #tpu.dimension_semantics<subcore_parallel>], iteration_bounds = array<i64: 2, 16>, scalar_prefetch = 0 : i64, scratch_operands = 3 : i64, tpu.core_type = #tpu.core_type<sc_vector_subcore>, window_params = [{transform_indices = #map}, {transform_indices = #map1}, {transform_indices = #map1}, {transform_indices = #map1}]} {
    %mul3A = arith.constant 16 : i32
    %mul3A_0 = arith.muli %arg0, %mul3A : i32
    %add3A = arith.addi %mul3A_0, %arg1 : i32
    %mul3A_1 = arith.constant 640 : i32
    %mul3A_2 = arith.muli %arg1, %mul3A_1 : i32
    "tpu.region"() ({
      %run_scoped3A = tpu.sem_alloc : memref<!tpu.dma_semaphore, #tpu.memory_space<semaphore_mem>>
      %dma_start3A = tpu.memref_slice %arg8[%mul3A_2] : memref<10240xf32, #tpu.memory_space<vmem_shared>> -> memref<640xf32, #tpu.memory_space<vmem_shared>>
      tpu.enqueue_dma source(%arg4 : memref<640xf32, #tpu.memory_space<hbm>>) target(%dma_start3A : memref<640xf32, #tpu.memory_space<vmem_shared>>) target_semaphore(%run_scoped3A : memref<!tpu.dma_semaphore, #tpu.memory_space<semaphore_mem>>)
      %dma_wait3A = tpu.memref_slice %arg8[%mul3A_2] : memref<10240xf32, #tpu.memory_space<vmem_shared>> -> memref<640xf32, #tpu.memory_space<vmem_shared>>
      tpu.wait_dma2 semaphore(%run_scoped3A : memref<!tpu.dma_semaphore, #tpu.memory_space<semaphore_mem>>) src(%arg4 : memref<640xf32, #tpu.memory_space<hbm>>) dst(%dma_wait3A : memref<640xf32, #tpu.memory_space<vmem_shared>>)
      tpu.yield
    }) : () -> ()
    "tpu.region"() ({
      %run_scoped3A = tpu.sem_alloc : memref<!tpu.dma_semaphore, #tpu.memory_space<semaphore_mem>>
      tpu.enqueue_dma source(%arg3 : memref<128xf32, #tpu.memory_space<hbm>>) target(%arg7 : memref<128xf32, #tpu.memory_space<vmem>>) target_semaphore(%run_scoped3A : memref<!tpu.dma_semaphore, #tpu.memory_space<semaphore_mem>>)
      tpu.wait_dma2 semaphore(%run_scoped3A : memref<!tpu.dma_semaphore, #tpu.memory_space<semaphore_mem>>) src(%arg3 : memref<128xf32, #tpu.memory_space<hbm>>) dst(%arg7 : memref<128xf32, #tpu.memory_space<vmem>>)
      tpu.yield
    }) : () -> ()
    %mul3A_3 = arith.constant 80 : i32
    %mul3A_4 = arith.muli %add3A, %mul3A_3 : i32
    "tpu.region"() ({
      %run_scoped3A = tpu.sem_alloc : memref<!tpu.dma_semaphore, #tpu.memory_space<semaphore_mem>>
      %dma_start3A = arith.constant 0 : i32
      %dma_start3A_17 = tpu.memref_slice %arg2[%mul3A_4, %dma_start3A] : memref<2560x128xi32, #tpu.memory_space<hbm>> -> memref<80x128xi32, #tpu.memory_space<hbm>>
      %dma_start3A_18 = arith.constant 0 : i32
      %dma_start3A_19 = tpu.memref_slice %arg2[%mul3A_4, %dma_start3A_18] : memref<2560x128xi32, #tpu.memory_space<hbm>> -> memref<80x128xi32, #tpu.memory_space<hbm>>
      tpu.enqueue_dma source(%dma_start3A_19 : memref<80x128xi32, #tpu.memory_space<hbm>>) target(%arg6 : memref<80x128xi32, #tpu.memory_space<vmem>>) target_semaphore(%run_scoped3A : memref<!tpu.dma_semaphore, #tpu.memory_space<semaphore_mem>>)
      %dma_wait3A = arith.constant 0 : i32
      %dma_wait3A_20 = tpu.memref_slice %arg2[%mul3A_4, %dma_wait3A] : memref<2560x128xi32, #tpu.memory_space<hbm>> -> memref<80x128xi32, #tpu.memory_space<hbm>>
      %dma_wait3A_21 = arith.constant 0 : i32
      %dma_wait3A_22 = tpu.memref_slice %arg2[%mul3A_4, %dma_wait3A_21] : memref<2560x128xi32, #tpu.memory_space<hbm>> -> memref<80x128xi32, #tpu.memory_space<hbm>>
      tpu.wait_dma2 semaphore(%run_scoped3A : memref<!tpu.dma_semaphore, #tpu.memory_space<semaphore_mem>>) src(%dma_wait3A_22 : memref<80x128xi32, #tpu.memory_space<hbm>>) dst(%arg6 : memref<80x128xi32, #tpu.memory_space<vmem>>)
      tpu.yield
    }) : () -> ()
    %barrier3A = arith.constant 0 : index
    tpu.barrier barrier_id(%barrier3A)
    %scan3A = arith.constant 0 : i32
    %scan3A_5 = arith.constant 80 : i32
    %scan3A_6 = arith.addi %scan3A, %scan3A_5 : i32
    %scan3A_7 = arith.constant 1 : i32
    scf.for %scan3A_17 = %scan3A to %scan3A_6 step %scan3A_7  : i32 {
      %mul3A_18 = arith.constant 1 : i32
      %mul3A_19 = arith.muli %scan3A_17, %mul3A_18 : i32
      %add3A_20 = arith.constant 0 : i32
      %add3A_21 = arith.addi %add3A_20, %mul3A_19 : i32
      "tpu.region"() ({
        %run_scoped3A = tpu.sem_alloc : memref<!tpu.dma_semaphore, #tpu.memory_space<semaphore_mem>>
        %dma_start3A = arith.constant 0 : i32
        %dma_start3A_22 = tpu.memref_slice %arg6[%add3A_21, %dma_start3A] : memref<80x128xi32, #tpu.memory_space<vmem>> -> memref<1x128xi32, #tpu.memory_space<vmem>>
        %dma_start3A_23 = tpu.memref_squeeze %dma_start3A_22 : memref<1x128xi32, #tpu.memory_space<vmem>> -> memref<128xi32, #tpu.memory_space<vmem>>
        %dma_start3A_24 = arith.constant 0 : i32
        %dma_start3A_25 = tpu.memref_slice %arg8[%dma_start3A_24] : memref<10240xf32, #tpu.memory_space<vmem_shared>> -> memref<10240xf32, #tpu.memory_space<vmem_shared>>
        tpu.enqueue_indirect_dma source(%arg7 : memref<128xf32, #tpu.memory_space<vmem>>) target(%dma_start3A_25 : memref<10240xf32, #tpu.memory_space<vmem_shared>>) offsets(%dma_start3A_23 : memref<128xi32, #tpu.memory_space<vmem>>) semaphore(%run_scoped3A : memref<!tpu.dma_semaphore, #tpu.memory_space<semaphore_mem>>) {add = true}
        %dma_wait3A = arith.constant 0 : i32
        %dma_wait3A_26 = tpu.memref_slice %arg6[%add3A_21, %dma_wait3A] : memref<80x128xi32, #tpu.memory_space<vmem>> -> memref<1x128xi32, #tpu.memory_space<vmem>>
        %dma_wait3A_27 = tpu.memref_squeeze %dma_wait3A_26 : memref<1x128xi32, #tpu.memory_space<vmem>> -> memref<128xi32, #tpu.memory_space<vmem>>
        %dma_wait3A_28 = arith.constant 0 : i32
        %dma_wait3A_29 = tpu.memref_slice %arg8[%dma_wait3A_28] : memref<10240xf32, #tpu.memory_space<vmem_shared>> -> memref<10240xf32, #tpu.memory_space<vmem_shared>>
        tpu.wait_indirect_dma semaphore(%run_scoped3A : memref<!tpu.dma_semaphore, #tpu.memory_space<semaphore_mem>>) src(%arg7 : memref<128xf32, #tpu.memory_space<vmem>>) dst(%dma_wait3A_29 : memref<10240xf32, #tpu.memory_space<vmem_shared>>)
        tpu.yield
      }) : () -> ()
    }
    %scan3A_8 = arith.constant 80 : i32
    %barrier3A_9 = arith.constant 0 : index
    tpu.barrier barrier_id(%barrier3A_9)
    %mul3A_10 = arith.constant 640 : i32
    %mul3A_11 = arith.muli %arg1, %mul3A_10 : i32
    %mul3A_12 = arith.constant 10240 : i32
    %mul3A_13 = arith.muli %arg0, %mul3A_12 : i32
    %mul3A_14 = arith.constant 640 : i32
    %mul3A_15 = arith.muli %arg1, %mul3A_14 : i32
    %add3A_16 = arith.addi %mul3A_13, %mul3A_15 : i32
    "tpu.region"() ({
      %run_scoped3A = tpu.sem_alloc : memref<!tpu.dma_semaphore, #tpu.memory_space<semaphore_mem>>
      %dma_start3A = tpu.memref_slice %arg5[%add3A_16] : memref<20480xf32, #tpu.memory_space<hbm>> -> memref<640xf32, #tpu.memory_space<hbm>>
      %dma_start3A_17 = tpu.memref_slice %arg8[%mul3A_11] : memref<10240xf32, #tpu.memory_space<vmem_shared>> -> memref<640xf32, #tpu.memory_space<vmem_shared>>
      tpu.enqueue_dma source(%dma_start3A_17 : memref<640xf32, #tpu.memory_space<vmem_shared>>) target(%dma_start3A : memref<640xf32, #tpu.memory_space<hbm>>) target_semaphore(%run_scoped3A : memref<!tpu.dma_semaphore, #tpu.memory_space<semaphore_mem>>)
      %dma_wait3A = tpu.memref_slice %arg5[%add3A_16] : memref<20480xf32, #tpu.memory_space<hbm>> -> memref<640xf32, #tpu.memory_space<hbm>>
      %dma_wait3A_18 = tpu.memref_slice %arg8[%mul3A_11] : memref<10240xf32, #tpu.memory_space<vmem_shared>> -> memref<640xf32, #tpu.memory_space<vmem_shared>>
      tpu.wait_dma2 semaphore(%run_scoped3A : memref<!tpu.dma_semaphore, #tpu.memory_space<semaphore_mem>>) src(%dma_wait3A_18 : memref<640xf32, #tpu.memory_space<vmem_shared>>) dst(%dma_wait3A : memref<640xf32, #tpu.memory_space<hbm>>)
      tpu.yield
    }) : () -> ()
    return
  }
}

#map = affine_map<(d0, d1) -> (0, 0)>
#map1 = affine_map<(d0, d1) -> (0, 0, 0)>
module attributes {stable_mosaic.version = 14 : i64} {
  func.func @_spmm_body(%arg0: i32, %arg1: i32, %arg2: memref<10240x128xf32, #tpu.memory_space<hbm>>, %arg3: memref<2560x128xi32, #tpu.memory_space<hbm>>, %arg4: memref<2560x128xi32, #tpu.memory_space<hbm>>, %arg5: memref<640x128xf32, #tpu.memory_space<hbm>>, %arg6: memref<2x10240x128xf32, #tpu.memory_space<hbm>>, %arg7: memref<40x128xi32, #tpu.memory_space<vmem>>, %arg8: memref<40x128xi32, #tpu.memory_space<vmem>>, %arg9: memref<2x128x128xf32, #tpu.memory_space<vmem>>, %arg10: memref<10240x128xf32, #tpu.memory_space<vmem_shared>>, %arg11: memref<!tpu.dma_semaphore, #tpu.memory_space<semaphore_mem>>) attributes {dimension_semantics = [#tpu.dimension_semantics<core_parallel>, #tpu.dimension_semantics<subcore_parallel>], iteration_bounds = array<i64: 2, 16>, scalar_prefetch = 0 : i64, scratch_operands = 5 : i64, tpu.core_type = #tpu.core_type<sc_vector_subcore>, window_params = [{transform_indices = #map}, {transform_indices = #map}, {transform_indices = #map}, {transform_indices = #map}, {transform_indices = #map1}]} {
    %mul3A = arith.constant 16 : i32
    %mul3A_0 = arith.muli %arg0, %mul3A : i32
    %add3A = arith.addi %mul3A_0, %arg1 : i32
    %eq3A = arith.constant 0 : i32
    %eq3A_1 = arith.cmpi eq, %arg0, %eq3A : i32
    %convert_element_type3A = arith.extui %eq3A_1 : i1 to i32
    %cond3A = arith.constant 0 : i32
    %cond3A_2 = arith.cmpi ne, %convert_element_type3A, %cond3A : i32
    scf.if %cond3A_2 {
      %mul3A_77 = arith.constant 640 : i32
      %mul3A_78 = arith.muli %arg1, %mul3A_77 : i32
      %mul3A_79 = arith.constant 640 : i32
      %mul3A_80 = arith.muli %arg1, %mul3A_79 : i32
      "tpu.region"() ({
        %run_scoped3A = tpu.sem_alloc : memref<!tpu.dma_semaphore, #tpu.memory_space<semaphore_mem>>
        %dma_start3A_81 = arith.constant 0 : i32
        %dma_start3A_82 = tpu.memref_slice %arg10[%mul3A_80, %dma_start3A_81] : memref<10240x128xf32, #tpu.memory_space<vmem_shared>> -> memref<640x128xf32, #tpu.memory_space<vmem_shared>>
        %dma_start3A_83 = arith.constant 0 : i32
        %dma_start3A_84 = tpu.memref_slice %arg2[%mul3A_78, %dma_start3A_83] : memref<10240x128xf32, #tpu.memory_space<hbm>> -> memref<640x128xf32, #tpu.memory_space<hbm>>
        tpu.enqueue_dma source(%dma_start3A_84 : memref<640x128xf32, #tpu.memory_space<hbm>>) target(%dma_start3A_82 : memref<640x128xf32, #tpu.memory_space<vmem_shared>>) target_semaphore(%run_scoped3A : memref<!tpu.dma_semaphore, #tpu.memory_space<semaphore_mem>>)
        %dma_wait3A = arith.constant 0 : i32
        %dma_wait3A_85 = tpu.memref_slice %arg10[%mul3A_80, %dma_wait3A] : memref<10240x128xf32, #tpu.memory_space<vmem_shared>> -> memref<640x128xf32, #tpu.memory_space<vmem_shared>>
        %dma_wait3A_86 = arith.constant 0 : i32
        %dma_wait3A_87 = tpu.memref_slice %arg2[%mul3A_78, %dma_wait3A_86] : memref<10240x128xf32, #tpu.memory_space<hbm>> -> memref<640x128xf32, #tpu.memory_space<hbm>>
        tpu.wait_dma2 semaphore(%run_scoped3A : memref<!tpu.dma_semaphore, #tpu.memory_space<semaphore_mem>>) src(%dma_wait3A_87 : memref<640x128xf32, #tpu.memory_space<hbm>>) dst(%dma_wait3A_85 : memref<640x128xf32, #tpu.memory_space<vmem_shared>>)
        tpu.yield
      }) : () -> ()
    } else {
    }
    %eq3A_3 = arith.constant 1 : i32
    %eq3A_4 = arith.cmpi eq, %arg0, %eq3A_3 : i32
    %convert_element_type3A_5 = arith.extui %eq3A_4 : i1 to i32
    %cond3A_6 = arith.constant 0 : i32
    %cond3A_7 = arith.cmpi ne, %convert_element_type3A_5, %cond3A_6 : i32
    scf.if %cond3A_7 {
      %mul3A_77 = arith.constant 640 : i32
      %mul3A_78 = arith.muli %arg1, %mul3A_77 : i32
      "tpu.region"() ({
        %run_scoped3A = tpu.sem_alloc : memref<!tpu.dma_semaphore, #tpu.memory_space<semaphore_mem>>
        %dma_start3A_79 = arith.constant 0 : i32
        %dma_start3A_80 = tpu.memref_slice %arg10[%mul3A_78, %dma_start3A_79] : memref<10240x128xf32, #tpu.memory_space<vmem_shared>> -> memref<640x128xf32, #tpu.memory_space<vmem_shared>>
        tpu.enqueue_dma source(%arg5 : memref<640x128xf32, #tpu.memory_space<hbm>>) target(%dma_start3A_80 : memref<640x128xf32, #tpu.memory_space<vmem_shared>>) target_semaphore(%run_scoped3A : memref<!tpu.dma_semaphore, #tpu.memory_space<semaphore_mem>>)
        %dma_wait3A = arith.constant 0 : i32
        %dma_wait3A_81 = tpu.memref_slice %arg10[%mul3A_78, %dma_wait3A] : memref<10240x128xf32, #tpu.memory_space<vmem_shared>> -> memref<640x128xf32, #tpu.memory_space<vmem_shared>>
        tpu.wait_dma2 semaphore(%run_scoped3A : memref<!tpu.dma_semaphore, #tpu.memory_space<semaphore_mem>>) src(%arg5 : memref<640x128xf32, #tpu.memory_space<hbm>>) dst(%dma_wait3A_81 : memref<640x128xf32, #tpu.memory_space<vmem_shared>>)
        tpu.yield
      }) : () -> ()
    } else {
    }
    %barrier3A = arith.constant 0 : index
    tpu.barrier barrier_id(%barrier3A)
    %mul3A_8 = arith.constant 80 : i32
    %mul3A_9 = arith.muli %add3A, %mul3A_8 : i32
    %add3A_10 = arith.constant 0 : i32
    %add3A_11 = arith.addi %mul3A_9, %add3A_10 : i32
    "tpu.region"() ({
      %run_scoped3A = tpu.sem_alloc : memref<!tpu.dma_semaphore, #tpu.memory_space<semaphore_mem>>
      %dma_start3A_77 = arith.constant 0 : i32
      %dma_start3A_78 = tpu.memref_slice %arg3[%add3A_11, %dma_start3A_77] : memref<2560x128xi32, #tpu.memory_space<hbm>> -> memref<40x128xi32, #tpu.memory_space<hbm>>
      %dma_start3A_79 = arith.constant 0 : i32
      %dma_start3A_80 = tpu.memref_slice %arg3[%add3A_11, %dma_start3A_79] : memref<2560x128xi32, #tpu.memory_space<hbm>> -> memref<40x128xi32, #tpu.memory_space<hbm>>
      tpu.enqueue_dma source(%dma_start3A_80 : memref<40x128xi32, #tpu.memory_space<hbm>>) target(%arg7 : memref<40x128xi32, #tpu.memory_space<vmem>>) target_semaphore(%run_scoped3A : memref<!tpu.dma_semaphore, #tpu.memory_space<semaphore_mem>>)
      %dma_wait3A = arith.constant 0 : i32
      %dma_wait3A_81 = tpu.memref_slice %arg3[%add3A_11, %dma_wait3A] : memref<2560x128xi32, #tpu.memory_space<hbm>> -> memref<40x128xi32, #tpu.memory_space<hbm>>
      %dma_wait3A_82 = arith.constant 0 : i32
      %dma_wait3A_83 = tpu.memref_slice %arg3[%add3A_11, %dma_wait3A_82] : memref<2560x128xi32, #tpu.memory_space<hbm>> -> memref<40x128xi32, #tpu.memory_space<hbm>>
      tpu.wait_dma2 semaphore(%run_scoped3A : memref<!tpu.dma_semaphore, #tpu.memory_space<semaphore_mem>>) src(%dma_wait3A_83 : memref<40x128xi32, #tpu.memory_space<hbm>>) dst(%arg7 : memref<40x128xi32, #tpu.memory_space<vmem>>)
      tpu.yield
    }) : () -> ()
    "tpu.region"() ({
      %run_scoped3A = tpu.sem_alloc : memref<!tpu.dma_semaphore, #tpu.memory_space<semaphore_mem>>
      %dma_start3A_77 = arith.constant 0 : i32
      %dma_start3A_78 = tpu.memref_slice %arg4[%add3A_11, %dma_start3A_77] : memref<2560x128xi32, #tpu.memory_space<hbm>> -> memref<40x128xi32, #tpu.memory_space<hbm>>
      %dma_start3A_79 = arith.constant 0 : i32
      %dma_start3A_80 = tpu.memref_slice %arg4[%add3A_11, %dma_start3A_79] : memref<2560x128xi32, #tpu.memory_space<hbm>> -> memref<40x128xi32, #tpu.memory_space<hbm>>
      tpu.enqueue_dma source(%dma_start3A_80 : memref<40x128xi32, #tpu.memory_space<hbm>>) target(%arg8 : memref<40x128xi32, #tpu.memory_space<vmem>>) target_semaphore(%run_scoped3A : memref<!tpu.dma_semaphore, #tpu.memory_space<semaphore_mem>>)
      %dma_wait3A = arith.constant 0 : i32
      %dma_wait3A_81 = tpu.memref_slice %arg4[%add3A_11, %dma_wait3A] : memref<2560x128xi32, #tpu.memory_space<hbm>> -> memref<40x128xi32, #tpu.memory_space<hbm>>
      %dma_wait3A_82 = arith.constant 0 : i32
      %dma_wait3A_83 = tpu.memref_slice %arg4[%add3A_11, %dma_wait3A_82] : memref<2560x128xi32, #tpu.memory_space<hbm>> -> memref<40x128xi32, #tpu.memory_space<hbm>>
      tpu.wait_dma2 semaphore(%run_scoped3A : memref<!tpu.dma_semaphore, #tpu.memory_space<semaphore_mem>>) src(%dma_wait3A_83 : memref<40x128xi32, #tpu.memory_space<hbm>>) dst(%arg8 : memref<40x128xi32, #tpu.memory_space<vmem>>)
      tpu.yield
    }) : () -> ()
    %dma_start3A = arith.constant 0 : i32
    %dma_start3A_12 = arith.constant 0 : i32
    %dma_start3A_13 = arith.constant 0 : i32
    %dma_start3A_14 = arith.constant 0 : i32
    %dma_start3A_15 = tpu.memref_slice %arg9[%dma_start3A_12, %dma_start3A_13, %dma_start3A_14] : memref<2x128x128xf32, #tpu.memory_space<vmem>> -> memref<1x128x128xf32, #tpu.memory_space<vmem>>
    %dma_start3A_16 = tpu.memref_squeeze %dma_start3A_15 : memref<1x128x128xf32, #tpu.memory_space<vmem>> -> memref<128x128xf32, #tpu.memory_space<vmem>>
    %dma_start3A_17 = arith.constant 0 : i32
    %dma_start3A_18 = tpu.memref_slice %arg7[%dma_start3A, %dma_start3A_17] : memref<40x128xi32, #tpu.memory_space<vmem>> -> memref<1x128xi32, #tpu.memory_space<vmem>>
    %dma_start3A_19 = tpu.memref_squeeze %dma_start3A_18 : memref<1x128xi32, #tpu.memory_space<vmem>> -> memref<128xi32, #tpu.memory_space<vmem>>
    %dma_start3A_20 = arith.constant 0 : i32
    %dma_start3A_21 = arith.constant 0 : i32
    %dma_start3A_22 = tpu.memref_slice %arg2[%dma_start3A_20, %dma_start3A_21] : memref<10240x128xf32, #tpu.memory_space<hbm>> -> memref<10240x128xf32, #tpu.memory_space<hbm>>
    tpu.enqueue_indirect_dma source(%dma_start3A_22 : memref<10240x128xf32, #tpu.memory_space<hbm>>) target(%dma_start3A_16 : memref<128x128xf32, #tpu.memory_space<vmem>>) offsets(%dma_start3A_19 : memref<128xi32, #tpu.memory_space<vmem>>) semaphore(%arg11 : memref<!tpu.dma_semaphore, #tpu.memory_space<semaphore_mem>>)
    %dma_start3A_23 = arith.constant 1 : i32
    %dma_start3A_24 = arith.constant 1 : i32
    %dma_start3A_25 = arith.constant 0 : i32
    %dma_start3A_26 = arith.constant 0 : i32
    %dma_start3A_27 = tpu.memref_slice %arg9[%dma_start3A_24, %dma_start3A_25, %dma_start3A_26] : memref<2x128x128xf32, #tpu.memory_space<vmem>> -> memref<1x128x128xf32, #tpu.memory_space<vmem>>
    %dma_start3A_28 = tpu.memref_squeeze %dma_start3A_27 : memref<1x128x128xf32, #tpu.memory_space<vmem>> -> memref<128x128xf32, #tpu.memory_space<vmem>>
    %dma_start3A_29 = arith.constant 0 : i32
    %dma_start3A_30 = tpu.memref_slice %arg7[%dma_start3A_23, %dma_start3A_29] : memref<40x128xi32, #tpu.memory_space<vmem>> -> memref<1x128xi32, #tpu.memory_space<vmem>>
    %dma_start3A_31 = tpu.memref_squeeze %dma_start3A_30 : memref<1x128xi32, #tpu.memory_space<vmem>> -> memref<128xi32, #tpu.memory_space<vmem>>
    %dma_start3A_32 = arith.constant 0 : i32
    %dma_start3A_33 = arith.constant 0 : i32
    %dma_start3A_34 = tpu.memref_slice %arg2[%dma_start3A_32, %dma_start3A_33] : memref<10240x128xf32, #tpu.memory_space<hbm>> -> memref<10240x128xf32, #tpu.memory_space<hbm>>
    tpu.enqueue_indirect_dma source(%dma_start3A_34 : memref<10240x128xf32, #tpu.memory_space<hbm>>) target(%dma_start3A_28 : memref<128x128xf32, #tpu.memory_space<vmem>>) offsets(%dma_start3A_31 : memref<128xi32, #tpu.memory_space<vmem>>) semaphore(%arg11 : memref<!tpu.dma_semaphore, #tpu.memory_space<semaphore_mem>>)
    %scan3A = arith.constant 0 : i32
    %scan3A_35 = arith.constant 20 : i32
    %scan3A_36 = arith.addi %scan3A, %scan3A_35 : i32
    %scan3A_37 = arith.constant 1 : i32
    scf.for %scan3A_77 = %scan3A to %scan3A_36 step %scan3A_37  : i32 {
      %mul3A_78 = arith.constant 1 : i32
      %mul3A_79 = arith.muli %scan3A_77, %mul3A_78 : i32
      %add3A_80 = arith.constant 0 : i32
      %add3A_81 = arith.addi %add3A_80, %mul3A_79 : i32
      %mul3A_82 = arith.constant 2 : i32
      %mul3A_83 = arith.muli %add3A_81, %mul3A_82 : i32
      %add3A_84 = arith.constant 0 : i32
      %add3A_85 = arith.addi %mul3A_83, %add3A_84 : i32
      %dma_wait3A = arith.constant 0 : i32
      %dma_wait3A_86 = arith.constant 0 : i32
      %dma_wait3A_87 = arith.constant 0 : i32
      %dma_wait3A_88 = tpu.memref_slice %arg9[%dma_wait3A, %dma_wait3A_86, %dma_wait3A_87] : memref<2x128x128xf32, #tpu.memory_space<vmem>> -> memref<1x128x128xf32, #tpu.memory_space<vmem>>
      %dma_wait3A_89 = tpu.memref_squeeze %dma_wait3A_88 : memref<1x128x128xf32, #tpu.memory_space<vmem>> -> memref<128x128xf32, #tpu.memory_space<vmem>>
      %dma_wait3A_90 = arith.constant 0 : i32
      %dma_wait3A_91 = tpu.memref_slice %arg7[%add3A_85, %dma_wait3A_90] : memref<40x128xi32, #tpu.memory_space<vmem>> -> memref<1x128xi32, #tpu.memory_space<vmem>>
      %dma_wait3A_92 = tpu.memref_squeeze %dma_wait3A_91 : memref<1x128xi32, #tpu.memory_space<vmem>> -> memref<128xi32, #tpu.memory_space<vmem>>
      %dma_wait3A_93 = arith.constant 0 : i32
      %dma_wait3A_94 = arith.constant 0 : i32
      %dma_wait3A_95 = tpu.memref_slice %arg2[%dma_wait3A_93, %dma_wait3A_94] : memref<10240x128xf32, #tpu.memory_space<hbm>> -> memref<10240x128xf32, #tpu.memory_space<hbm>>
      tpu.wait_indirect_dma semaphore(%arg11 : memref<!tpu.dma_semaphore, #tpu.memory_space<semaphore_mem>>) src(%dma_wait3A_95 : memref<10240x128xf32, #tpu.memory_space<hbm>>) dst(%dma_wait3A_89 : memref<128x128xf32, #tpu.memory_space<vmem>>)
      %run_scoped3A = arith.constant 0 : i32
      "tpu.region"() ({
        %run_scoped3A_125 = tpu.sem_alloc : memref<!tpu.dma_semaphore, #tpu.memory_space<semaphore_mem>>
        %dma_start3A_126 = arith.constant 0 : i32
        %dma_start3A_127 = arith.constant 0 : i32
        %dma_start3A_128 = tpu.memref_slice %arg9[%run_scoped3A, %dma_start3A_126, %dma_start3A_127] : memref<2x128x128xf32, #tpu.memory_space<vmem>> -> memref<1x128x128xf32, #tpu.memory_space<vmem>>
        %dma_start3A_129 = tpu.memref_squeeze %dma_start3A_128 : memref<1x128x128xf32, #tpu.memory_space<vmem>> -> memref<128x128xf32, #tpu.memory_space<vmem>>
        %dma_start3A_130 = arith.constant 0 : i32
        %dma_start3A_131 = tpu.memref_slice %arg8[%add3A_85, %dma_start3A_130] : memref<40x128xi32, #tpu.memory_space<vmem>> -> memref<1x128xi32, #tpu.memory_space<vmem>>
        %dma_start3A_132 = tpu.memref_squeeze %dma_start3A_131 : memref<1x128xi32, #tpu.memory_space<vmem>> -> memref<128xi32, #tpu.memory_space<vmem>>
        %dma_start3A_133 = arith.constant 0 : i32
        %dma_start3A_134 = arith.constant 0 : i32
        %dma_start3A_135 = tpu.memref_slice %arg10[%dma_start3A_133, %dma_start3A_134] : memref<10240x128xf32, #tpu.memory_space<vmem_shared>> -> memref<10240x128xf32, #tpu.memory_space<vmem_shared>>
        tpu.enqueue_indirect_dma source(%dma_start3A_129 : memref<128x128xf32, #tpu.memory_space<vmem>>) target(%dma_start3A_135 : memref<10240x128xf32, #tpu.memory_space<vmem_shared>>) offsets(%dma_start3A_132 : memref<128xi32, #tpu.memory_space<vmem>>) semaphore(%run_scoped3A_125 : memref<!tpu.dma_semaphore, #tpu.memory_space<semaphore_mem>>) {add = true}
        %dma_wait3A_136 = arith.constant 0 : i32
        %dma_wait3A_137 = arith.constant 0 : i32
        %dma_wait3A_138 = tpu.memref_slice %arg9[%run_scoped3A, %dma_wait3A_136, %dma_wait3A_137] : memref<2x128x128xf32, #tpu.memory_space<vmem>> -> memref<1x128x128xf32, #tpu.memory_space<vmem>>
        %dma_wait3A_139 = tpu.memref_squeeze %dma_wait3A_138 : memref<1x128x128xf32, #tpu.memory_space<vmem>> -> memref<128x128xf32, #tpu.memory_space<vmem>>
        %dma_wait3A_140 = arith.constant 0 : i32
        %dma_wait3A_141 = tpu.memref_slice %arg8[%add3A_85, %dma_wait3A_140] : memref<40x128xi32, #tpu.memory_space<vmem>> -> memref<1x128xi32, #tpu.memory_space<vmem>>
        %dma_wait3A_142 = tpu.memref_squeeze %dma_wait3A_141 : memref<1x128xi32, #tpu.memory_space<vmem>> -> memref<128xi32, #tpu.memory_space<vmem>>
        %dma_wait3A_143 = arith.constant 0 : i32
        %dma_wait3A_144 = arith.constant 0 : i32
        %dma_wait3A_145 = tpu.memref_slice %arg10[%dma_wait3A_143, %dma_wait3A_144] : memref<10240x128xf32, #tpu.memory_space<vmem_shared>> -> memref<10240x128xf32, #tpu.memory_space<vmem_shared>>
        tpu.wait_indirect_dma semaphore(%run_scoped3A_125 : memref<!tpu.dma_semaphore, #tpu.memory_space<semaphore_mem>>) src(%dma_wait3A_139 : memref<128x128xf32, #tpu.memory_space<vmem>>) dst(%dma_wait3A_145 : memref<10240x128xf32, #tpu.memory_space<vmem_shared>>)
        tpu.yield
      }) : () -> ()
      %add3A_96 = arith.constant 2 : i32
      %add3A_97 = arith.addi %add3A_85, %add3A_96 : i32
      %lt3A = arith.constant 40 : i32
      %lt3A_98 = arith.cmpi slt, %add3A_97, %lt3A : i32
      %convert_element_type3A_99 = arith.extui %lt3A_98 : i1 to i32
      %cond3A_100 = arith.constant 0 : i32
      %cond3A_101 = arith.cmpi ne, %convert_element_type3A_99, %cond3A_100 : i32
      scf.if %cond3A_101 {
        %add3A_125 = arith.constant 2 : i32
        %add3A_126 = arith.addi %add3A_85, %add3A_125 : i32
        %dma_start3A_127 = arith.constant 0 : i32
        %dma_start3A_128 = arith.constant 0 : i32
        %dma_start3A_129 = arith.constant 0 : i32
        %dma_start3A_130 = tpu.memref_slice %arg9[%dma_start3A_127, %dma_start3A_128, %dma_start3A_129] : memref<2x128x128xf32, #tpu.memory_space<vmem>> -> memref<1x128x128xf32, #tpu.memory_space<vmem>>
        %dma_start3A_131 = tpu.memref_squeeze %dma_start3A_130 : memref<1x128x128xf32, #tpu.memory_space<vmem>> -> memref<128x128xf32, #tpu.memory_space<vmem>>
        %dma_start3A_132 = arith.constant 0 : i32
        %dma_start3A_133 = tpu.memref_slice %arg7[%add3A_126, %dma_start3A_132] : memref<40x128xi32, #tpu.memory_space<vmem>> -> memref<1x128xi32, #tpu.memory_space<vmem>>
        %dma_start3A_134 = tpu.memref_squeeze %dma_start3A_133 : memref<1x128xi32, #tpu.memory_space<vmem>> -> memref<128xi32, #tpu.memory_space<vmem>>
        %dma_start3A_135 = arith.constant 0 : i32
        %dma_start3A_136 = arith.constant 0 : i32
        %dma_start3A_137 = tpu.memref_slice %arg2[%dma_start3A_135, %dma_start3A_136] : memref<10240x128xf32, #tpu.memory_space<hbm>> -> memref<10240x128xf32, #tpu.memory_space<hbm>>
        tpu.enqueue_indirect_dma source(%dma_start3A_137 : memref<10240x128xf32, #tpu.memory_space<hbm>>) target(%dma_start3A_131 : memref<128x128xf32, #tpu.memory_space<vmem>>) offsets(%dma_start3A_134 : memref<128xi32, #tpu.memory_space<vmem>>) semaphore(%arg11 : memref<!tpu.dma_semaphore, #tpu.memory_space<semaphore_mem>>)
      } else {
      }
      %mul3A_102 = arith.constant 2 : i32
      %mul3A_103 = arith.muli %add3A_81, %mul3A_102 : i32
      %add3A_104 = arith.constant 1 : i32
      %add3A_105 = arith.addi %mul3A_103, %add3A_104 : i32
      %dma_wait3A_106 = arith.constant 1 : i32
      %dma_wait3A_107 = arith.constant 0 : i32
      %dma_wait3A_108 = arith.constant 0 : i32
      %dma_wait3A_109 = tpu.memref_slice %arg9[%dma_wait3A_106, %dma_wait3A_107, %dma_wait3A_108] : memref<2x128x128xf32, #tpu.memory_space<vmem>> -> memref<1x128x128xf32, #tpu.memory_space<vmem>>
      %dma_wait3A_110 = tpu.memref_squeeze %dma_wait3A_109 : memref<1x128x128xf32, #tpu.memory_space<vmem>> -> memref<128x128xf32, #tpu.memory_space<vmem>>
      %dma_wait3A_111 = arith.constant 0 : i32
      %dma_wait3A_112 = tpu.memref_slice %arg7[%add3A_105, %dma_wait3A_111] : memref<40x128xi32, #tpu.memory_space<vmem>> -> memref<1x128xi32, #tpu.memory_space<vmem>>
      %dma_wait3A_113 = tpu.memref_squeeze %dma_wait3A_112 : memref<1x128xi32, #tpu.memory_space<vmem>> -> memref<128xi32, #tpu.memory_space<vmem>>
      %dma_wait3A_114 = arith.constant 0 : i32
      %dma_wait3A_115 = arith.constant 0 : i32
      %dma_wait3A_116 = tpu.memref_slice %arg2[%dma_wait3A_114, %dma_wait3A_115] : memref<10240x128xf32, #tpu.memory_space<hbm>> -> memref<10240x128xf32, #tpu.memory_space<hbm>>
      tpu.wait_indirect_dma semaphore(%arg11 : memref<!tpu.dma_semaphore, #tpu.memory_space<semaphore_mem>>) src(%dma_wait3A_116 : memref<10240x128xf32, #tpu.memory_space<hbm>>) dst(%dma_wait3A_110 : memref<128x128xf32, #tpu.memory_space<vmem>>)
      %run_scoped3A_117 = arith.constant 1 : i32
      "tpu.region"() ({
        %run_scoped3A_125 = tpu.sem_alloc : memref<!tpu.dma_semaphore, #tpu.memory_space<semaphore_mem>>
        %dma_start3A_126 = arith.constant 0 : i32
        %dma_start3A_127 = arith.constant 0 : i32
        %dma_start3A_128 = tpu.memref_slice %arg9[%run_scoped3A_117, %dma_start3A_126, %dma_start3A_127] : memref<2x128x128xf32, #tpu.memory_space<vmem>> -> memref<1x128x128xf32, #tpu.memory_space<vmem>>
        %dma_start3A_129 = tpu.memref_squeeze %dma_start3A_128 : memref<1x128x128xf32, #tpu.memory_space<vmem>> -> memref<128x128xf32, #tpu.memory_space<vmem>>
        %dma_start3A_130 = arith.constant 0 : i32
        %dma_start3A_131 = tpu.memref_slice %arg8[%add3A_105, %dma_start3A_130] : memref<40x128xi32, #tpu.memory_space<vmem>> -> memref<1x128xi32, #tpu.memory_space<vmem>>
        %dma_start3A_132 = tpu.memref_squeeze %dma_start3A_131 : memref<1x128xi32, #tpu.memory_space<vmem>> -> memref<128xi32, #tpu.memory_space<vmem>>
        %dma_start3A_133 = arith.constant 0 : i32
        %dma_start3A_134 = arith.constant 0 : i32
        %dma_start3A_135 = tpu.memref_slice %arg10[%dma_start3A_133, %dma_start3A_134] : memref<10240x128xf32, #tpu.memory_space<vmem_shared>> -> memref<10240x128xf32, #tpu.memory_space<vmem_shared>>
        tpu.enqueue_indirect_dma source(%dma_start3A_129 : memref<128x128xf32, #tpu.memory_space<vmem>>) target(%dma_start3A_135 : memref<10240x128xf32, #tpu.memory_space<vmem_shared>>) offsets(%dma_start3A_132 : memref<128xi32, #tpu.memory_space<vmem>>) semaphore(%run_scoped3A_125 : memref<!tpu.dma_semaphore, #tpu.memory_space<semaphore_mem>>) {add = true}
        %dma_wait3A_136 = arith.constant 0 : i32
        %dma_wait3A_137 = arith.constant 0 : i32
        %dma_wait3A_138 = tpu.memref_slice %arg9[%run_scoped3A_117, %dma_wait3A_136, %dma_wait3A_137] : memref<2x128x128xf32, #tpu.memory_space<vmem>> -> memref<1x128x128xf32, #tpu.memory_space<vmem>>
        %dma_wait3A_139 = tpu.memref_squeeze %dma_wait3A_138 : memref<1x128x128xf32, #tpu.memory_space<vmem>> -> memref<128x128xf32, #tpu.memory_space<vmem>>
        %dma_wait3A_140 = arith.constant 0 : i32
        %dma_wait3A_141 = tpu.memref_slice %arg8[%add3A_105, %dma_wait3A_140] : memref<40x128xi32, #tpu.memory_space<vmem>> -> memref<1x128xi32, #tpu.memory_space<vmem>>
        %dma_wait3A_142 = tpu.memref_squeeze %dma_wait3A_141 : memref<1x128xi32, #tpu.memory_space<vmem>> -> memref<128xi32, #tpu.memory_space<vmem>>
        %dma_wait3A_143 = arith.constant 0 : i32
        %dma_wait3A_144 = arith.constant 0 : i32
        %dma_wait3A_145 = tpu.memref_slice %arg10[%dma_wait3A_143, %dma_wait3A_144] : memref<10240x128xf32, #tpu.memory_space<vmem_shared>> -> memref<10240x128xf32, #tpu.memory_space<vmem_shared>>
        tpu.wait_indirect_dma semaphore(%run_scoped3A_125 : memref<!tpu.dma_semaphore, #tpu.memory_space<semaphore_mem>>) src(%dma_wait3A_139 : memref<128x128xf32, #tpu.memory_space<vmem>>) dst(%dma_wait3A_145 : memref<10240x128xf32, #tpu.memory_space<vmem_shared>>)
        tpu.yield
      }) : () -> ()
      %add3A_118 = arith.constant 2 : i32
      %add3A_119 = arith.addi %add3A_105, %add3A_118 : i32
      %lt3A_120 = arith.constant 40 : i32
      %lt3A_121 = arith.cmpi slt, %add3A_119, %lt3A_120 : i32
      %convert_element_type3A_122 = arith.extui %lt3A_121 : i1 to i32
      %cond3A_123 = arith.constant 0 : i32
      %cond3A_124 = arith.cmpi ne, %convert_element_type3A_122, %cond3A_123 : i32
      scf.if %cond3A_124 {
        %add3A_125 = arith.constant 2 : i32
        %add3A_126 = arith.addi %add3A_105, %add3A_125 : i32
        %dma_start3A_127 = arith.constant 1 : i32
        %dma_start3A_128 = arith.constant 0 : i32
        %dma_start3A_129 = arith.constant 0 : i32
        %dma_start3A_130 = tpu.memref_slice %arg9[%dma_start3A_127, %dma_start3A_128, %dma_start3A_129] : memref<2x128x128xf32, #tpu.memory_space<vmem>> -> memref<1x128x128xf32, #tpu.memory_space<vmem>>
        %dma_start3A_131 = tpu.memref_squeeze %dma_start3A_130 : memref<1x128x128xf32, #tpu.memory_space<vmem>> -> memref<128x128xf32, #tpu.memory_space<vmem>>
        %dma_start3A_132 = arith.constant 0 : i32
        %dma_start3A_133 = tpu.memref_slice %arg7[%add3A_126, %dma_start3A_132] : memref<40x128xi32, #tpu.memory_space<vmem>> -> memref<1x128xi32, #tpu.memory_space<vmem>>
        %dma_start3A_134 = tpu.memref_squeeze %dma_start3A_133 : memref<1x128xi32, #tpu.memory_space<vmem>> -> memref<128xi32, #tpu.memory_space<vmem>>
        %dma_start3A_135 = arith.constant 0 : i32
        %dma_start3A_136 = arith.constant 0 : i32
        %dma_start3A_137 = tpu.memref_slice %arg2[%dma_start3A_135, %dma_start3A_136] : memref<10240x128xf32, #tpu.memory_space<hbm>> -> memref<10240x128xf32, #tpu.memory_space<hbm>>
        tpu.enqueue_indirect_dma source(%dma_start3A_137 : memref<10240x128xf32, #tpu.memory_space<hbm>>) target(%dma_start3A_131 : memref<128x128xf32, #tpu.memory_space<vmem>>) offsets(%dma_start3A_134 : memref<128xi32, #tpu.memory_space<vmem>>) semaphore(%arg11 : memref<!tpu.dma_semaphore, #tpu.memory_space<semaphore_mem>>)
      } else {
      }
    }
    %scan3A_38 = arith.constant 20 : i32
    %mul3A_39 = arith.constant 80 : i32
    %mul3A_40 = arith.muli %add3A, %mul3A_39 : i32
    %add3A_41 = arith.constant 40 : i32
    %add3A_42 = arith.addi %mul3A_40, %add3A_41 : i32
    "tpu.region"() ({
      %run_scoped3A = tpu.sem_alloc : memref<!tpu.dma_semaphore, #tpu.memory_space<semaphore_mem>>
      %dma_start3A_77 = arith.constant 0 : i32
      %dma_start3A_78 = tpu.memref_slice %arg3[%add3A_42, %dma_start3A_77] : memref<2560x128xi32, #tpu.memory_space<hbm>> -> memref<40x128xi32, #tpu.memory_space<hbm>>
      %dma_start3A_79 = arith.constant 0 : i32
      %dma_start3A_80 = tpu.memref_slice %arg3[%add3A_42, %dma_start3A_79] : memref<2560x128xi32, #tpu.memory_space<hbm>> -> memref<40x128xi32, #tpu.memory_space<hbm>>
      tpu.enqueue_dma source(%dma_start3A_80 : memref<40x128xi32, #tpu.memory_space<hbm>>) target(%arg7 : memref<40x128xi32, #tpu.memory_space<vmem>>) target_semaphore(%run_scoped3A : memref<!tpu.dma_semaphore, #tpu.memory_space<semaphore_mem>>)
      %dma_wait3A = arith.constant 0 : i32
      %dma_wait3A_81 = tpu.memref_slice %arg3[%add3A_42, %dma_wait3A] : memref<2560x128xi32, #tpu.memory_space<hbm>> -> memref<40x128xi32, #tpu.memory_space<hbm>>
      %dma_wait3A_82 = arith.constant 0 : i32
      %dma_wait3A_83 = tpu.memref_slice %arg3[%add3A_42, %dma_wait3A_82] : memref<2560x128xi32, #tpu.memory_space<hbm>> -> memref<40x128xi32, #tpu.memory_space<hbm>>
      tpu.wait_dma2 semaphore(%run_scoped3A : memref<!tpu.dma_semaphore, #tpu.memory_space<semaphore_mem>>) src(%dma_wait3A_83 : memref<40x128xi32, #tpu.memory_space<hbm>>) dst(%arg7 : memref<40x128xi32, #tpu.memory_space<vmem>>)
      tpu.yield
    }) : () -> ()
    "tpu.region"() ({
      %run_scoped3A = tpu.sem_alloc : memref<!tpu.dma_semaphore, #tpu.memory_space<semaphore_mem>>
      %dma_start3A_77 = arith.constant 0 : i32
      %dma_start3A_78 = tpu.memref_slice %arg4[%add3A_42, %dma_start3A_77] : memref<2560x128xi32, #tpu.memory_space<hbm>> -> memref<40x128xi32, #tpu.memory_space<hbm>>
      %dma_start3A_79 = arith.constant 0 : i32
      %dma_start3A_80 = tpu.memref_slice %arg4[%add3A_42, %dma_start3A_79] : memref<2560x128xi32, #tpu.memory_space<hbm>> -> memref<40x128xi32, #tpu.memory_space<hbm>>
      tpu.enqueue_dma source(%dma_start3A_80 : memref<40x128xi32, #tpu.memory_space<hbm>>) target(%arg8 : memref<40x128xi32, #tpu.memory_space<vmem>>) target_semaphore(%run_scoped3A : memref<!tpu.dma_semaphore, #tpu.memory_space<semaphore_mem>>)
      %dma_wait3A = arith.constant 0 : i32
      %dma_wait3A_81 = tpu.memref_slice %arg4[%add3A_42, %dma_wait3A] : memref<2560x128xi32, #tpu.memory_space<hbm>> -> memref<40x128xi32, #tpu.memory_space<hbm>>
      %dma_wait3A_82 = arith.constant 0 : i32
      %dma_wait3A_83 = tpu.memref_slice %arg4[%add3A_42, %dma_wait3A_82] : memref<2560x128xi32, #tpu.memory_space<hbm>> -> memref<40x128xi32, #tpu.memory_space<hbm>>
      tpu.wait_dma2 semaphore(%run_scoped3A : memref<!tpu.dma_semaphore, #tpu.memory_space<semaphore_mem>>) src(%dma_wait3A_83 : memref<40x128xi32, #tpu.memory_space<hbm>>) dst(%arg8 : memref<40x128xi32, #tpu.memory_space<vmem>>)
      tpu.yield
    }) : () -> ()
    %dma_start3A_43 = arith.constant 0 : i32
    %dma_start3A_44 = arith.constant 0 : i32
    %dma_start3A_45 = arith.constant 0 : i32
    %dma_start3A_46 = arith.constant 0 : i32
    %dma_start3A_47 = tpu.memref_slice %arg9[%dma_start3A_44, %dma_start3A_45, %dma_start3A_46] : memref<2x128x128xf32, #tpu.memory_space<vmem>> -> memref<1x128x128xf32, #tpu.memory_space<vmem>>
    %dma_start3A_48 = tpu.memref_squeeze %dma_start3A_47 : memref<1x128x128xf32, #tpu.memory_space<vmem>> -> memref<128x128xf32, #tpu.memory_space<vmem>>
    %dma_start3A_49 = arith.constant 0 : i32
    %dma_start3A_50 = tpu.memref_slice %arg7[%dma_start3A_43, %dma_start3A_49] : memref<40x128xi32, #tpu.memory_space<vmem>> -> memref<1x128xi32, #tpu.memory_space<vmem>>
    %dma_start3A_51 = tpu.memref_squeeze %dma_start3A_50 : memref<1x128xi32, #tpu.memory_space<vmem>> -> memref<128xi32, #tpu.memory_space<vmem>>
    %dma_start3A_52 = arith.constant 0 : i32
    %dma_start3A_53 = arith.constant 0 : i32
    %dma_start3A_54 = tpu.memref_slice %arg2[%dma_start3A_52, %dma_start3A_53] : memref<10240x128xf32, #tpu.memory_space<hbm>> -> memref<10240x128xf32, #tpu.memory_space<hbm>>
    tpu.enqueue_indirect_dma source(%dma_start3A_54 : memref<10240x128xf32, #tpu.memory_space<hbm>>) target(%dma_start3A_48 : memref<128x128xf32, #tpu.memory_space<vmem>>) offsets(%dma_start3A_51 : memref<128xi32, #tpu.memory_space<vmem>>) semaphore(%arg11 : memref<!tpu.dma_semaphore, #tpu.memory_space<semaphore_mem>>)
    %dma_start3A_55 = arith.constant 1 : i32
    %dma_start3A_56 = arith.constant 1 : i32
    %dma_start3A_57 = arith.constant 0 : i32
    %dma_start3A_58 = arith.constant 0 : i32
    %dma_start3A_59 = tpu.memref_slice %arg9[%dma_start3A_56, %dma_start3A_57, %dma_start3A_58] : memref<2x128x128xf32, #tpu.memory_space<vmem>> -> memref<1x128x128xf32, #tpu.memory_space<vmem>>
    %dma_start3A_60 = tpu.memref_squeeze %dma_start3A_59 : memref<1x128x128xf32, #tpu.memory_space<vmem>> -> memref<128x128xf32, #tpu.memory_space<vmem>>
    %dma_start3A_61 = arith.constant 0 : i32
    %dma_start3A_62 = tpu.memref_slice %arg7[%dma_start3A_55, %dma_start3A_61] : memref<40x128xi32, #tpu.memory_space<vmem>> -> memref<1x128xi32, #tpu.memory_space<vmem>>
    %dma_start3A_63 = tpu.memref_squeeze %dma_start3A_62 : memref<1x128xi32, #tpu.memory_space<vmem>> -> memref<128xi32, #tpu.memory_space<vmem>>
    %dma_start3A_64 = arith.constant 0 : i32
    %dma_start3A_65 = arith.constant 0 : i32
    %dma_start3A_66 = tpu.memref_slice %arg2[%dma_start3A_64, %dma_start3A_65] : memref<10240x128xf32, #tpu.memory_space<hbm>> -> memref<10240x128xf32, #tpu.memory_space<hbm>>
    tpu.enqueue_indirect_dma source(%dma_start3A_66 : memref<10240x128xf32, #tpu.memory_space<hbm>>) target(%dma_start3A_60 : memref<128x128xf32, #tpu.memory_space<vmem>>) offsets(%dma_start3A_63 : memref<128xi32, #tpu.memory_space<vmem>>) semaphore(%arg11 : memref<!tpu.dma_semaphore, #tpu.memory_space<semaphore_mem>>)
    %scan3A_67 = arith.constant 0 : i32
    %scan3A_68 = arith.constant 20 : i32
    %scan3A_69 = arith.addi %scan3A_67, %scan3A_68 : i32
    %scan3A_70 = arith.constant 1 : i32
    scf.for %scan3A_77 = %scan3A_67 to %scan3A_69 step %scan3A_70  : i32 {
      %mul3A_78 = arith.constant 1 : i32
      %mul3A_79 = arith.muli %scan3A_77, %mul3A_78 : i32
      %add3A_80 = arith.constant 0 : i32
      %add3A_81 = arith.addi %add3A_80, %mul3A_79 : i32
      %mul3A_82 = arith.constant 2 : i32
      %mul3A_83 = arith.muli %add3A_81, %mul3A_82 : i32
      %add3A_84 = arith.constant 0 : i32
      %add3A_85 = arith.addi %mul3A_83, %add3A_84 : i32
      %dma_wait3A = arith.constant 0 : i32
      %dma_wait3A_86 = arith.constant 0 : i32
      %dma_wait3A_87 = arith.constant 0 : i32
      %dma_wait3A_88 = tpu.memref_slice %arg9[%dma_wait3A, %dma_wait3A_86, %dma_wait3A_87] : memref<2x128x128xf32, #tpu.memory_space<vmem>> -> memref<1x128x128xf32, #tpu.memory_space<vmem>>
      %dma_wait3A_89 = tpu.memref_squeeze %dma_wait3A_88 : memref<1x128x128xf32, #tpu.memory_space<vmem>> -> memref<128x128xf32, #tpu.memory_space<vmem>>
      %dma_wait3A_90 = arith.constant 0 : i32
      %dma_wait3A_91 = tpu.memref_slice %arg7[%add3A_85, %dma_wait3A_90] : memref<40x128xi32, #tpu.memory_space<vmem>> -> memref<1x128xi32, #tpu.memory_space<vmem>>
      %dma_wait3A_92 = tpu.memref_squeeze %dma_wait3A_91 : memref<1x128xi32, #tpu.memory_space<vmem>> -> memref<128xi32, #tpu.memory_space<vmem>>
      %dma_wait3A_93 = arith.constant 0 : i32
      %dma_wait3A_94 = arith.constant 0 : i32
      %dma_wait3A_95 = tpu.memref_slice %arg2[%dma_wait3A_93, %dma_wait3A_94] : memref<10240x128xf32, #tpu.memory_space<hbm>> -> memref<10240x128xf32, #tpu.memory_space<hbm>>
      tpu.wait_indirect_dma semaphore(%arg11 : memref<!tpu.dma_semaphore, #tpu.memory_space<semaphore_mem>>) src(%dma_wait3A_95 : memref<10240x128xf32, #tpu.memory_space<hbm>>) dst(%dma_wait3A_89 : memref<128x128xf32, #tpu.memory_space<vmem>>)
      %run_scoped3A = arith.constant 0 : i32
      "tpu.region"() ({
        %run_scoped3A_125 = tpu.sem_alloc : memref<!tpu.dma_semaphore, #tpu.memory_space<semaphore_mem>>
        %dma_start3A_126 = arith.constant 0 : i32
        %dma_start3A_127 = arith.constant 0 : i32
        %dma_start3A_128 = tpu.memref_slice %arg9[%run_scoped3A, %dma_start3A_126, %dma_start3A_127] : memref<2x128x128xf32, #tpu.memory_space<vmem>> -> memref<1x128x128xf32, #tpu.memory_space<vmem>>
        %dma_start3A_129 = tpu.memref_squeeze %dma_start3A_128 : memref<1x128x128xf32, #tpu.memory_space<vmem>> -> memref<128x128xf32, #tpu.memory_space<vmem>>
        %dma_start3A_130 = arith.constant 0 : i32
        %dma_start3A_131 = tpu.memref_slice %arg8[%add3A_85, %dma_start3A_130] : memref<40x128xi32, #tpu.memory_space<vmem>> -> memref<1x128xi32, #tpu.memory_space<vmem>>
        %dma_start3A_132 = tpu.memref_squeeze %dma_start3A_131 : memref<1x128xi32, #tpu.memory_space<vmem>> -> memref<128xi32, #tpu.memory_space<vmem>>
        %dma_start3A_133 = arith.constant 0 : i32
        %dma_start3A_134 = arith.constant 0 : i32
        %dma_start3A_135 = tpu.memref_slice %arg10[%dma_start3A_133, %dma_start3A_134] : memref<10240x128xf32, #tpu.memory_space<vmem_shared>> -> memref<10240x128xf32, #tpu.memory_space<vmem_shared>>
        tpu.enqueue_indirect_dma source(%dma_start3A_129 : memref<128x128xf32, #tpu.memory_space<vmem>>) target(%dma_start3A_135 : memref<10240x128xf32, #tpu.memory_space<vmem_shared>>) offsets(%dma_start3A_132 : memref<128xi32, #tpu.memory_space<vmem>>) semaphore(%run_scoped3A_125 : memref<!tpu.dma_semaphore, #tpu.memory_space<semaphore_mem>>) {add = true}
        %dma_wait3A_136 = arith.constant 0 : i32
        %dma_wait3A_137 = arith.constant 0 : i32
        %dma_wait3A_138 = tpu.memref_slice %arg9[%run_scoped3A, %dma_wait3A_136, %dma_wait3A_137] : memref<2x128x128xf32, #tpu.memory_space<vmem>> -> memref<1x128x128xf32, #tpu.memory_space<vmem>>
        %dma_wait3A_139 = tpu.memref_squeeze %dma_wait3A_138 : memref<1x128x128xf32, #tpu.memory_space<vmem>> -> memref<128x128xf32, #tpu.memory_space<vmem>>
        %dma_wait3A_140 = arith.constant 0 : i32
        %dma_wait3A_141 = tpu.memref_slice %arg8[%add3A_85, %dma_wait3A_140] : memref<40x128xi32, #tpu.memory_space<vmem>> -> memref<1x128xi32, #tpu.memory_space<vmem>>
        %dma_wait3A_142 = tpu.memref_squeeze %dma_wait3A_141 : memref<1x128xi32, #tpu.memory_space<vmem>> -> memref<128xi32, #tpu.memory_space<vmem>>
        %dma_wait3A_143 = arith.constant 0 : i32
        %dma_wait3A_144 = arith.constant 0 : i32
        %dma_wait3A_145 = tpu.memref_slice %arg10[%dma_wait3A_143, %dma_wait3A_144] : memref<10240x128xf32, #tpu.memory_space<vmem_shared>> -> memref<10240x128xf32, #tpu.memory_space<vmem_shared>>
        tpu.wait_indirect_dma semaphore(%run_scoped3A_125 : memref<!tpu.dma_semaphore, #tpu.memory_space<semaphore_mem>>) src(%dma_wait3A_139 : memref<128x128xf32, #tpu.memory_space<vmem>>) dst(%dma_wait3A_145 : memref<10240x128xf32, #tpu.memory_space<vmem_shared>>)
        tpu.yield
      }) : () -> ()
      %add3A_96 = arith.constant 2 : i32
      %add3A_97 = arith.addi %add3A_85, %add3A_96 : i32
      %lt3A = arith.constant 40 : i32
      %lt3A_98 = arith.cmpi slt, %add3A_97, %lt3A : i32
      %convert_element_type3A_99 = arith.extui %lt3A_98 : i1 to i32
      %cond3A_100 = arith.constant 0 : i32
      %cond3A_101 = arith.cmpi ne, %convert_element_type3A_99, %cond3A_100 : i32
      scf.if %cond3A_101 {
        %add3A_125 = arith.constant 2 : i32
        %add3A_126 = arith.addi %add3A_85, %add3A_125 : i32
        %dma_start3A_127 = arith.constant 0 : i32
        %dma_start3A_128 = arith.constant 0 : i32
        %dma_start3A_129 = arith.constant 0 : i32
        %dma_start3A_130 = tpu.memref_slice %arg9[%dma_start3A_127, %dma_start3A_128, %dma_start3A_129] : memref<2x128x128xf32, #tpu.memory_space<vmem>> -> memref<1x128x128xf32, #tpu.memory_space<vmem>>
        %dma_start3A_131 = tpu.memref_squeeze %dma_start3A_130 : memref<1x128x128xf32, #tpu.memory_space<vmem>> -> memref<128x128xf32, #tpu.memory_space<vmem>>
        %dma_start3A_132 = arith.constant 0 : i32
        %dma_start3A_133 = tpu.memref_slice %arg7[%add3A_126, %dma_start3A_132] : memref<40x128xi32, #tpu.memory_space<vmem>> -> memref<1x128xi32, #tpu.memory_space<vmem>>
        %dma_start3A_134 = tpu.memref_squeeze %dma_start3A_133 : memref<1x128xi32, #tpu.memory_space<vmem>> -> memref<128xi32, #tpu.memory_space<vmem>>
        %dma_start3A_135 = arith.constant 0 : i32
        %dma_start3A_136 = arith.constant 0 : i32
        %dma_start3A_137 = tpu.memref_slice %arg2[%dma_start3A_135, %dma_start3A_136] : memref<10240x128xf32, #tpu.memory_space<hbm>> -> memref<10240x128xf32, #tpu.memory_space<hbm>>
        tpu.enqueue_indirect_dma source(%dma_start3A_137 : memref<10240x128xf32, #tpu.memory_space<hbm>>) target(%dma_start3A_131 : memref<128x128xf32, #tpu.memory_space<vmem>>) offsets(%dma_start3A_134 : memref<128xi32, #tpu.memory_space<vmem>>) semaphore(%arg11 : memref<!tpu.dma_semaphore, #tpu.memory_space<semaphore_mem>>)
      } else {
      }
      %mul3A_102 = arith.constant 2 : i32
      %mul3A_103 = arith.muli %add3A_81, %mul3A_102 : i32
      %add3A_104 = arith.constant 1 : i32
      %add3A_105 = arith.addi %mul3A_103, %add3A_104 : i32
      %dma_wait3A_106 = arith.constant 1 : i32
      %dma_wait3A_107 = arith.constant 0 : i32
      %dma_wait3A_108 = arith.constant 0 : i32
      %dma_wait3A_109 = tpu.memref_slice %arg9[%dma_wait3A_106, %dma_wait3A_107, %dma_wait3A_108] : memref<2x128x128xf32, #tpu.memory_space<vmem>> -> memref<1x128x128xf32, #tpu.memory_space<vmem>>
      %dma_wait3A_110 = tpu.memref_squeeze %dma_wait3A_109 : memref<1x128x128xf32, #tpu.memory_space<vmem>> -> memref<128x128xf32, #tpu.memory_space<vmem>>
      %dma_wait3A_111 = arith.constant 0 : i32
      %dma_wait3A_112 = tpu.memref_slice %arg7[%add3A_105, %dma_wait3A_111] : memref<40x128xi32, #tpu.memory_space<vmem>> -> memref<1x128xi32, #tpu.memory_space<vmem>>
      %dma_wait3A_113 = tpu.memref_squeeze %dma_wait3A_112 : memref<1x128xi32, #tpu.memory_space<vmem>> -> memref<128xi32, #tpu.memory_space<vmem>>
      %dma_wait3A_114 = arith.constant 0 : i32
      %dma_wait3A_115 = arith.constant 0 : i32
      %dma_wait3A_116 = tpu.memref_slice %arg2[%dma_wait3A_114, %dma_wait3A_115] : memref<10240x128xf32, #tpu.memory_space<hbm>> -> memref<10240x128xf32, #tpu.memory_space<hbm>>
      tpu.wait_indirect_dma semaphore(%arg11 : memref<!tpu.dma_semaphore, #tpu.memory_space<semaphore_mem>>) src(%dma_wait3A_116 : memref<10240x128xf32, #tpu.memory_space<hbm>>) dst(%dma_wait3A_110 : memref<128x128xf32, #tpu.memory_space<vmem>>)
      %run_scoped3A_117 = arith.constant 1 : i32
      "tpu.region"() ({
        %run_scoped3A_125 = tpu.sem_alloc : memref<!tpu.dma_semaphore, #tpu.memory_space<semaphore_mem>>
        %dma_start3A_126 = arith.constant 0 : i32
        %dma_start3A_127 = arith.constant 0 : i32
        %dma_start3A_128 = tpu.memref_slice %arg9[%run_scoped3A_117, %dma_start3A_126, %dma_start3A_127] : memref<2x128x128xf32, #tpu.memory_space<vmem>> -> memref<1x128x128xf32, #tpu.memory_space<vmem>>
        %dma_start3A_129 = tpu.memref_squeeze %dma_start3A_128 : memref<1x128x128xf32, #tpu.memory_space<vmem>> -> memref<128x128xf32, #tpu.memory_space<vmem>>
        %dma_start3A_130 = arith.constant 0 : i32
        %dma_start3A_131 = tpu.memref_slice %arg8[%add3A_105, %dma_start3A_130] : memref<40x128xi32, #tpu.memory_space<vmem>> -> memref<1x128xi32, #tpu.memory_space<vmem>>
        %dma_start3A_132 = tpu.memref_squeeze %dma_start3A_131 : memref<1x128xi32, #tpu.memory_space<vmem>> -> memref<128xi32, #tpu.memory_space<vmem>>
        %dma_start3A_133 = arith.constant 0 : i32
        %dma_start3A_134 = arith.constant 0 : i32
        %dma_start3A_135 = tpu.memref_slice %arg10[%dma_start3A_133, %dma_start3A_134] : memref<10240x128xf32, #tpu.memory_space<vmem_shared>> -> memref<10240x128xf32, #tpu.memory_space<vmem_shared>>
        tpu.enqueue_indirect_dma source(%dma_start3A_129 : memref<128x128xf32, #tpu.memory_space<vmem>>) target(%dma_start3A_135 : memref<10240x128xf32, #tpu.memory_space<vmem_shared>>) offsets(%dma_start3A_132 : memref<128xi32, #tpu.memory_space<vmem>>) semaphore(%run_scoped3A_125 : memref<!tpu.dma_semaphore, #tpu.memory_space<semaphore_mem>>) {add = true}
        %dma_wait3A_136 = arith.constant 0 : i32
        %dma_wait3A_137 = arith.constant 0 : i32
        %dma_wait3A_138 = tpu.memref_slice %arg9[%run_scoped3A_117, %dma_wait3A_136, %dma_wait3A_137] : memref<2x128x128xf32, #tpu.memory_space<vmem>> -> memref<1x128x128xf32, #tpu.memory_space<vmem>>
        %dma_wait3A_139 = tpu.memref_squeeze %dma_wait3A_138 : memref<1x128x128xf32, #tpu.memory_space<vmem>> -> memref<128x128xf32, #tpu.memory_space<vmem>>
        %dma_wait3A_140 = arith.constant 0 : i32
        %dma_wait3A_141 = tpu.memref_slice %arg8[%add3A_105, %dma_wait3A_140] : memref<40x128xi32, #tpu.memory_space<vmem>> -> memref<1x128xi32, #tpu.memory_space<vmem>>
        %dma_wait3A_142 = tpu.memref_squeeze %dma_wait3A_141 : memref<1x128xi32, #tpu.memory_space<vmem>> -> memref<128xi32, #tpu.memory_space<vmem>>
        %dma_wait3A_143 = arith.constant 0 : i32
        %dma_wait3A_144 = arith.constant 0 : i32
        %dma_wait3A_145 = tpu.memref_slice %arg10[%dma_wait3A_143, %dma_wait3A_144] : memref<10240x128xf32, #tpu.memory_space<vmem_shared>> -> memref<10240x128xf32, #tpu.memory_space<vmem_shared>>
        tpu.wait_indirect_dma semaphore(%run_scoped3A_125 : memref<!tpu.dma_semaphore, #tpu.memory_space<semaphore_mem>>) src(%dma_wait3A_139 : memref<128x128xf32, #tpu.memory_space<vmem>>) dst(%dma_wait3A_145 : memref<10240x128xf32, #tpu.memory_space<vmem_shared>>)
        tpu.yield
      }) : () -> ()
      %add3A_118 = arith.constant 2 : i32
      %add3A_119 = arith.addi %add3A_105, %add3A_118 : i32
      %lt3A_120 = arith.constant 40 : i32
      %lt3A_121 = arith.cmpi slt, %add3A_119, %lt3A_120 : i32
      %convert_element_type3A_122 = arith.extui %lt3A_121 : i1 to i32
      %cond3A_123 = arith.constant 0 : i32
      %cond3A_124 = arith.cmpi ne, %convert_element_type3A_122, %cond3A_123 : i32
      scf.if %cond3A_124 {
        %add3A_125 = arith.constant 2 : i32
        %add3A_126 = arith.addi %add3A_105, %add3A_125 : i32
        %dma_start3A_127 = arith.constant 1 : i32
        %dma_start3A_128 = arith.constant 0 : i32
        %dma_start3A_129 = arith.constant 0 : i32
        %dma_start3A_130 = tpu.memref_slice %arg9[%dma_start3A_127, %dma_start3A_128, %dma_start3A_129] : memref<2x128x128xf32, #tpu.memory_space<vmem>> -> memref<1x128x128xf32, #tpu.memory_space<vmem>>
        %dma_start3A_131 = tpu.memref_squeeze %dma_start3A_130 : memref<1x128x128xf32, #tpu.memory_space<vmem>> -> memref<128x128xf32, #tpu.memory_space<vmem>>
        %dma_start3A_132 = arith.constant 0 : i32
        %dma_start3A_133 = tpu.memref_slice %arg7[%add3A_126, %dma_start3A_132] : memref<40x128xi32, #tpu.memory_space<vmem>> -> memref<1x128xi32, #tpu.memory_space<vmem>>
        %dma_start3A_134 = tpu.memref_squeeze %dma_start3A_133 : memref<1x128xi32, #tpu.memory_space<vmem>> -> memref<128xi32, #tpu.memory_space<vmem>>
        %dma_start3A_135 = arith.constant 0 : i32
        %dma_start3A_136 = arith.constant 0 : i32
        %dma_start3A_137 = tpu.memref_slice %arg2[%dma_start3A_135, %dma_start3A_136] : memref<10240x128xf32, #tpu.memory_space<hbm>> -> memref<10240x128xf32, #tpu.memory_space<hbm>>
        tpu.enqueue_indirect_dma source(%dma_start3A_137 : memref<10240x128xf32, #tpu.memory_space<hbm>>) target(%dma_start3A_131 : memref<128x128xf32, #tpu.memory_space<vmem>>) offsets(%dma_start3A_134 : memref<128xi32, #tpu.memory_space<vmem>>) semaphore(%arg11 : memref<!tpu.dma_semaphore, #tpu.memory_space<semaphore_mem>>)
      } else {
      }
    }
    %scan3A_71 = arith.constant 20 : i32
    %barrier3A_72 = arith.constant 0 : index
    tpu.barrier barrier_id(%barrier3A_72)
    %mul3A_73 = arith.constant 640 : i32
    %mul3A_74 = arith.muli %arg1, %mul3A_73 : i32
    %mul3A_75 = arith.constant 640 : i32
    %mul3A_76 = arith.muli %arg1, %mul3A_75 : i32
    "tpu.region"() ({
      %run_scoped3A = tpu.sem_alloc : memref<!tpu.dma_semaphore, #tpu.memory_space<semaphore_mem>>
      %dma_start3A_77 = arith.constant 0 : i32
      %dma_start3A_78 = tpu.memref_slice %arg6[%arg0, %mul3A_76, %dma_start3A_77] : memref<2x10240x128xf32, #tpu.memory_space<hbm>> -> memref<1x640x128xf32, #tpu.memory_space<hbm>>
      %dma_start3A_79 = tpu.memref_squeeze %dma_start3A_78 : memref<1x640x128xf32, #tpu.memory_space<hbm>> -> memref<640x128xf32, #tpu.memory_space<hbm>>
      %dma_start3A_80 = arith.constant 0 : i32
      %dma_start3A_81 = tpu.memref_slice %arg10[%mul3A_74, %dma_start3A_80] : memref<10240x128xf32, #tpu.memory_space<vmem_shared>> -> memref<640x128xf32, #tpu.memory_space<vmem_shared>>
      tpu.enqueue_dma source(%dma_start3A_81 : memref<640x128xf32, #tpu.memory_space<vmem_shared>>) target(%dma_start3A_79 : memref<640x128xf32, #tpu.memory_space<hbm>>) target_semaphore(%run_scoped3A : memref<!tpu.dma_semaphore, #tpu.memory_space<semaphore_mem>>)
      %dma_wait3A = arith.constant 0 : i32
      %dma_wait3A_82 = tpu.memref_slice %arg6[%arg0, %mul3A_76, %dma_wait3A] : memref<2x10240x128xf32, #tpu.memory_space<hbm>> -> memref<1x640x128xf32, #tpu.memory_space<hbm>>
      %dma_wait3A_83 = tpu.memref_squeeze %dma_wait3A_82 : memref<1x640x128xf32, #tpu.memory_space<hbm>> -> memref<640x128xf32, #tpu.memory_space<hbm>>
      %dma_wait3A_84 = arith.constant 0 : i32
      %dma_wait3A_85 = tpu.memref_slice %arg10[%mul3A_74, %dma_wait3A_84] : memref<10240x128xf32, #tpu.memory_space<vmem_shared>> -> memref<640x128xf32, #tpu.memory_space<vmem_shared>>
      tpu.wait_dma2 semaphore(%run_scoped3A : memref<!tpu.dma_semaphore, #tpu.memory_space<semaphore_mem>>) src(%dma_wait3A_85 : memref<640x128xf32, #tpu.memory_space<vmem_shared>>) dst(%dma_wait3A_83 : memref<640x128xf32, #tpu.memory_space<hbm>>)
      tpu.yield
    }) : () -> ()
    return
  }
}

module attributes {stable_mosaic.version = 14 : i64} {
  func.func @_tc_a_body(%arg0: i32, %arg1: memref<512x128xf32, #tpu.memory_space<vmem>>, %arg2: memref<128x128xf32, #tpu.memory_space<vmem>>, %arg3: memref<512x1xf32, #tpu.memory_space<vmem>>, %arg4: memref<512x1xf32, #tpu.memory_space<vmem>>, %arg5: memref<512x128xf32, #tpu.memory_space<vmem>>, %arg6: memref<512x1xf32, #tpu.memory_space<vmem>>) attributes {dimension_semantics = [#tpu.dimension_semantics<arbitrary>], iteration_bounds = array<i64: 20>, scalar_prefetch = 0 : i64, scratch_operands = 0 : i64, tpu.core_type = #tpu.core_type<tc>, window_params = [{transform_indices = @transform_0, window_bounds = array<i64: 512, 128>}, {pipeline_mode = #tpu.pipeline_mode<synchronous>, transform_indices = @transform_1, window_bounds = array<i64: 128, 128>}, {transform_indices = @transform_2, window_bounds = array<i64: 512, 1>}, {transform_indices = @transform_3, window_bounds = array<i64: 512, 1>}, {transform_indices = @transform_4, window_bounds = array<i64: 512, 128>}, {transform_indices = @transform_5, window_bounds = array<i64: 512, 1>}]} {
    %get3A = arith.constant 0 : index
    %get3A_0 = arith.constant 0 : index
    %get3A_1 = vector.load %arg3[%get3A, %get3A_0] : memref<512x1xf32, #tpu.memory_space<vmem>>, vector<512x1xf32>
    %get3A_2 = arith.constant 0 : index
    %get3A_3 = arith.constant 0 : index
    %get3A_4 = vector.load %arg4[%get3A_2, %get3A_3] : memref<512x1xf32, #tpu.memory_space<vmem>>, vector<512x1xf32>
    %add3A = arith.addf %get3A_1, %get3A_4 : vector<512x1xf32>
    %add3A_5 = arith.constant 1.000000e+00 : f32
    %add3A_6 = vector.broadcast %add3A_5 : f32 to vector<512x1xf32>
    %add3A_7 = arith.addf %add3A, %add3A_6 : vector<512x1xf32>
    %rsqrt3A = math.rsqrt %add3A_7 : vector<512x1xf32>
    %swap3A = arith.constant 0 : index
    %swap3A_8 = arith.constant 0 : index
    %swap3A_9 = vector.load %arg6[%swap3A, %swap3A_8] : memref<512x1xf32, #tpu.memory_space<vmem>>, vector<512x1xf32>
    tpu.vector_store %arg6[%swap3A, %swap3A_8], %rsqrt3A {strides = array<i32>} : memref<512x1xf32, #tpu.memory_space<vmem>>, vector<512x1xf32>,
    %get3A_10 = arith.constant 0 : index
    %get3A_11 = arith.constant 0 : index
    %get3A_12 = vector.load %arg1[%get3A_10, %get3A_11] : memref<512x128xf32, #tpu.memory_space<vmem>>, vector<512x128xf32>
    %get3A_13 = arith.constant 0 : index
    %get3A_14 = arith.constant 0 : index
    %get3A_15 = vector.load %arg2[%get3A_13, %get3A_14] : memref<128x128xf32, #tpu.memory_space<vmem>>, vector<128x128xf32>
    %dot_general3A = arith.constant dense<0.000000e+00> : vector<512x128xf32>
    %dot_general3A_16 = tpu.matmul %get3A_12, %get3A_15, %dot_general3A {dimension_numbers = #tpu.dot_dimension_numbers<[1], [0], [0], [1], [0, 0, 1, 1], [], []>, transpose_lhs_hint = false} : vector<512x128xf32>, vector<128x128xf32>, vector<512x128xf32> -> vector<512x128xf32>
    %mul3A = vector.broadcast %rsqrt3A : vector<512x1xf32> to vector<512x128xf32>
    %mul3A_17 = arith.mulf %dot_general3A_16, %mul3A : vector<512x128xf32>
    %swap3A_18 = arith.constant 0 : index
    %swap3A_19 = arith.constant 0 : index
    %swap3A_20 = vector.load %arg5[%swap3A_18, %swap3A_19] : memref<512x128xf32, #tpu.memory_space<vmem>>, vector<512x128xf32>
    tpu.vector_store %arg5[%swap3A_18, %swap3A_19], %mul3A_17 {strides = array<i32>} : memref<512x128xf32, #tpu.memory_space<vmem>>, vector<512x128xf32>,
    return
  }
  func.func @transform_0(%arg0: i32) -> (i32, i32) {
    %c0_i32 = arith.constant 0 : i32
    %c0_i32_0 = arith.constant 0 : i32
    return %arg0, %c0_i32 : i32, i32
  }
  func.func @transform_1(%arg0: i32) -> (i32, i32) {
    %c0_i32 = arith.constant 0 : i32
    %c0_i32_0 = arith.constant 0 : i32
    %c0_i32_1 = arith.constant 0 : i32
    return %c0_i32, %c0_i32_0 : i32, i32
  }
  func.func @transform_2(%arg0: i32) -> (i32, i32) {
    %c0_i32 = arith.constant 0 : i32
    %c0_i32_0 = arith.constant 0 : i32
    return %arg0, %c0_i32 : i32, i32
  }
  func.func @transform_3(%arg0: i32) -> (i32, i32) {
    %c0_i32 = arith.constant 0 : i32
    %c0_i32_0 = arith.constant 0 : i32
    return %arg0, %c0_i32 : i32, i32
  }
  func.func @transform_4(%arg0: i32) -> (i32, i32) {
    %c0_i32 = arith.constant 0 : i32
    %c0_i32_0 = arith.constant 0 : i32
    return %arg0, %c0_i32 : i32, i32
  }
  func.func @transform_5(%arg0: i32) -> (i32, i32) {
    %c0_i32 = arith.constant 0 : i32
    %c0_i32_0 = arith.constant 0 : i32
    return %arg0, %c0_i32 : i32, i32
  }
}

module attributes {stable_mosaic.version = 14 : i64} {
  func.func @_tc_c_body(%arg0: i32, %arg1: memref<512x128xf32, #tpu.memory_space<vmem>>, %arg2: memref<512x128xf32, #tpu.memory_space<vmem>>, %arg3: memref<512x1xf32, #tpu.memory_space<vmem>>, %arg4: memref<128x128xf32, #tpu.memory_space<vmem>>, %arg5: memref<1x128xf32, #tpu.memory_space<vmem>>, %arg6: memref<1x128xf32, #tpu.memory_space<vmem>>, %arg7: memref<512x128xf32, #tpu.memory_space<vmem>>, %arg8: memref<512x128xf32, #tpu.memory_space<vmem>>) attributes {dimension_semantics = [#tpu.dimension_semantics<arbitrary>], iteration_bounds = array<i64: 20>, scalar_prefetch = 0 : i64, scratch_operands = 0 : i64, tpu.core_type = #tpu.core_type<tc>, window_params = [{transform_indices = @transform_0, window_bounds = array<i64: 512, 128>}, {transform_indices = @transform_1, window_bounds = array<i64: 512, 128>}, {transform_indices = @transform_2, window_bounds = array<i64: 512, 1>}, {pipeline_mode = #tpu.pipeline_mode<synchronous>, transform_indices = @transform_3, window_bounds = array<i64: 128, 128>}, {pipeline_mode = #tpu.pipeline_mode<synchronous>, transform_indices = @transform_4, window_bounds = array<i64: 1, 128>}, {pipeline_mode = #tpu.pipeline_mode<synchronous>, transform_indices = @transform_5, window_bounds = array<i64: 1, 128>}, {transform_indices = @transform_6, window_bounds = array<i64: 512, 128>}, {transform_indices = @transform_7, window_bounds = array<i64: 512, 128>}]} {
    %get3A = arith.constant 0 : index
    %get3A_0 = arith.constant 0 : index
    %get3A_1 = vector.load %arg3[%get3A, %get3A_0] : memref<512x1xf32, #tpu.memory_space<vmem>>, vector<512x1xf32>
    %get3A_2 = arith.constant 0 : index
    %get3A_3 = arith.constant 0 : index
    %get3A_4 = vector.load %arg1[%get3A_2, %get3A_3] : memref<512x128xf32, #tpu.memory_space<vmem>>, vector<512x128xf32>
    %get3A_5 = arith.constant 0 : index
    %get3A_6 = arith.constant 0 : index
    %get3A_7 = vector.load %arg2[%get3A_5, %get3A_6] : memref<512x128xf32, #tpu.memory_space<vmem>>, vector<512x128xf32>
    %add3A = arith.addf %get3A_4, %get3A_7 : vector<512x128xf32>
    %mul3A = vector.broadcast %get3A_1 : vector<512x1xf32> to vector<512x128xf32>
    %mul3A_8 = arith.mulf %add3A, %mul3A : vector<512x128xf32>
    %get3A_9 = arith.constant 0 : index
    %get3A_10 = arith.constant 0 : index
    %get3A_11 = vector.load %arg5[%get3A_9, %get3A_10] : memref<1x128xf32, #tpu.memory_space<vmem>>, vector<1x128xf32>
    %mul3A_12 = vector.broadcast %get3A_11 : vector<1x128xf32> to vector<512x128xf32>
    %mul3A_13 = arith.mulf %mul3A_8, %mul3A_12 : vector<512x128xf32>
    %get3A_14 = arith.constant 0 : index
    %get3A_15 = arith.constant 0 : index
    %get3A_16 = vector.load %arg6[%get3A_14, %get3A_15] : memref<1x128xf32, #tpu.memory_space<vmem>>, vector<1x128xf32>
    %add3A_17 = vector.broadcast %get3A_16 : vector<1x128xf32> to vector<512x128xf32>
    %add3A_18 = arith.addf %mul3A_13, %add3A_17 : vector<512x128xf32>
    %max3A = arith.constant 0.000000e+00 : f32
    %max3A_19 = vector.broadcast %max3A : f32 to vector<512x128xf32>
    %max3A_20 = arith.maximumf %add3A_18, %max3A_19 : vector<512x128xf32>
    %swap3A = arith.constant 0 : index
    %swap3A_21 = arith.constant 0 : index
    %swap3A_22 = vector.load %arg7[%swap3A, %swap3A_21] : memref<512x128xf32, #tpu.memory_space<vmem>>, vector<512x128xf32>
    tpu.vector_store %arg7[%swap3A, %swap3A_21], %max3A_20 {strides = array<i32>} : memref<512x128xf32, #tpu.memory_space<vmem>>, vector<512x128xf32>,
    %get3A_23 = arith.constant 0 : index
    %get3A_24 = arith.constant 0 : index
    %get3A_25 = vector.load %arg4[%get3A_23, %get3A_24] : memref<128x128xf32, #tpu.memory_space<vmem>>, vector<128x128xf32>
    %dot_general3A = arith.constant dense<0.000000e+00> : vector<512x128xf32>
    %dot_general3A_26 = tpu.matmul %max3A_20, %get3A_25, %dot_general3A {dimension_numbers = #tpu.dot_dimension_numbers<[1], [0], [0], [1], [0, 0, 1, 1], [], []>, transpose_lhs_hint = false} : vector<512x128xf32>, vector<128x128xf32>, vector<512x128xf32> -> vector<512x128xf32>
    %mul3A_27 = vector.broadcast %get3A_1 : vector<512x1xf32> to vector<512x128xf32>
    %mul3A_28 = arith.mulf %dot_general3A_26, %mul3A_27 : vector<512x128xf32>
    %swap3A_29 = arith.constant 0 : index
    %swap3A_30 = arith.constant 0 : index
    %swap3A_31 = vector.load %arg8[%swap3A_29, %swap3A_30] : memref<512x128xf32, #tpu.memory_space<vmem>>, vector<512x128xf32>
    tpu.vector_store %arg8[%swap3A_29, %swap3A_30], %mul3A_28 {strides = array<i32>} : memref<512x128xf32, #tpu.memory_space<vmem>>, vector<512x128xf32>,
    return
  }
  func.func @transform_0(%arg0: i32) -> (i32, i32) {
    %c0_i32 = arith.constant 0 : i32
    %c0_i32_0 = arith.constant 0 : i32
    return %arg0, %c0_i32 : i32, i32
  }
  func.func @transform_1(%arg0: i32) -> (i32, i32) {
    %c0_i32 = arith.constant 0 : i32
    %c0_i32_0 = arith.constant 0 : i32
    return %arg0, %c0_i32 : i32, i32
  }
  func.func @transform_2(%arg0: i32) -> (i32, i32) {
    %c0_i32 = arith.constant 0 : i32
    %c0_i32_0 = arith.constant 0 : i32
    return %arg0, %c0_i32 : i32, i32
  }
  func.func @transform_3(%arg0: i32) -> (i32, i32) {
    %c0_i32 = arith.constant 0 : i32
    %c0_i32_0 = arith.constant 0 : i32
    %c0_i32_1 = arith.constant 0 : i32
    return %c0_i32, %c0_i32_0 : i32, i32
  }
  func.func @transform_4(%arg0: i32) -> (i32, i32) {
    %c0_i32 = arith.constant 0 : i32
    %c0_i32_0 = arith.constant 0 : i32
    %c0_i32_1 = arith.constant 0 : i32
    return %c0_i32, %c0_i32_0 : i32, i32
  }
  func.func @transform_5(%arg0: i32) -> (i32, i32) {
    %c0_i32 = arith.constant 0 : i32
    %c0_i32_0 = arith.constant 0 : i32
    %c0_i32_1 = arith.constant 0 : i32
    return %c0_i32, %c0_i32_0 : i32, i32
  }
  func.func @transform_6(%arg0: i32) -> (i32, i32) {
    %c0_i32 = arith.constant 0 : i32
    %c0_i32_0 = arith.constant 0 : i32
    return %arg0, %c0_i32 : i32, i32
  }
  func.func @transform_7(%arg0: i32) -> (i32, i32) {
    %c0_i32 = arith.constant 0 : i32
    %c0_i32_0 = arith.constant 0 : i32
    return %arg0, %c0_i32 : i32, i32
  }
}

module attributes {stable_mosaic.version = 14 : i64} {
  func.func @_tc_e_body(%arg0: i32, %arg1: memref<512x128xf32, #tpu.memory_space<vmem>>, %arg2: memref<512x128xf32, #tpu.memory_space<vmem>>, %arg3: memref<512x1xf32, #tpu.memory_space<vmem>>, %arg4: memref<512x128xf32, #tpu.memory_space<vmem>>, %arg5: memref<1x128xf32, #tpu.memory_space<vmem>>, %arg6: memref<1x128xf32, #tpu.memory_space<vmem>>, %arg7: memref<128x128xf32, #tpu.memory_space<vmem>>, %arg8: memref<128x128xf32, #tpu.memory_space<vmem>>, %arg9: memref<1x128xf32, #tpu.memory_space<vmem>>, %arg10: memref<128x128xf32, #tpu.memory_space<vmem>>, %arg11: memref<1x128xf32, #tpu.memory_space<vmem>>, %arg12: memref<512x128xf32, #tpu.memory_space<vmem>>) attributes {dimension_semantics = [#tpu.dimension_semantics<arbitrary>], iteration_bounds = array<i64: 20>, scalar_prefetch = 0 : i64, scratch_operands = 0 : i64, tpu.core_type = #tpu.core_type<tc>, window_params = [{transform_indices = @transform_0, window_bounds = array<i64: 512, 128>}, {transform_indices = @transform_1, window_bounds = array<i64: 512, 128>}, {transform_indices = @transform_2, window_bounds = array<i64: 512, 1>}, {transform_indices = @transform_3, window_bounds = array<i64: 512, 128>}, {pipeline_mode = #tpu.pipeline_mode<synchronous>, transform_indices = @transform_4, window_bounds = array<i64: 1, 128>}, {pipeline_mode = #tpu.pipeline_mode<synchronous>, transform_indices = @transform_5, window_bounds = array<i64: 1, 128>}, {pipeline_mode = #tpu.pipeline_mode<synchronous>, transform_indices = @transform_6, window_bounds = array<i64: 128, 128>}, {pipeline_mode = #tpu.pipeline_mode<synchronous>, transform_indices = @transform_7, window_bounds = array<i64: 128, 128>}, {pipeline_mode = #tpu.pipeline_mode<synchronous>, transform_indices = @transform_8, window_bounds = array<i64: 1, 128>}, {pipeline_mode = #tpu.pipeline_mode<synchronous>, transform_indices = @transform_9, window_bounds = array<i64: 128, 128>}, {pipeline_mode = #tpu.pipeline_mode<synchronous>, transform_indices = @transform_10, window_bounds = array<i64: 1, 128>}, {transform_indices = @transform_11, window_bounds = array<i64: 512, 128>}]} {
    %get3A = arith.constant 0 : index
    %get3A_0 = arith.constant 0 : index
    %get3A_1 = vector.load %arg3[%get3A, %get3A_0] : memref<512x1xf32, #tpu.memory_space<vmem>>, vector<512x1xf32>
    %get3A_2 = arith.constant 0 : index
    %get3A_3 = arith.constant 0 : index
    %get3A_4 = vector.load %arg1[%get3A_2, %get3A_3] : memref<512x128xf32, #tpu.memory_space<vmem>>, vector<512x128xf32>
    %get3A_5 = arith.constant 0 : index
    %get3A_6 = arith.constant 0 : index
    %get3A_7 = vector.load %arg2[%get3A_5, %get3A_6] : memref<512x128xf32, #tpu.memory_space<vmem>>, vector<512x128xf32>
    %add3A = arith.addf %get3A_4, %get3A_7 : vector<512x128xf32>
    %mul3A = vector.broadcast %get3A_1 : vector<512x1xf32> to vector<512x128xf32>
    %mul3A_8 = arith.mulf %add3A, %mul3A : vector<512x128xf32>
    %get3A_9 = arith.constant 0 : index
    %get3A_10 = arith.constant 0 : index
    %get3A_11 = vector.load %arg5[%get3A_9, %get3A_10] : memref<1x128xf32, #tpu.memory_space<vmem>>, vector<1x128xf32>
    %mul3A_12 = vector.broadcast %get3A_11 : vector<1x128xf32> to vector<512x128xf32>
    %mul3A_13 = arith.mulf %mul3A_8, %mul3A_12 : vector<512x128xf32>
    %get3A_14 = arith.constant 0 : index
    %get3A_15 = arith.constant 0 : index
    %get3A_16 = vector.load %arg6[%get3A_14, %get3A_15] : memref<1x128xf32, #tpu.memory_space<vmem>>, vector<1x128xf32>
    %add3A_17 = vector.broadcast %get3A_16 : vector<1x128xf32> to vector<512x128xf32>
    %add3A_18 = arith.addf %mul3A_13, %add3A_17 : vector<512x128xf32>
    %max3A = arith.constant 0.000000e+00 : f32
    %max3A_19 = vector.broadcast %max3A : f32 to vector<512x128xf32>
    %max3A_20 = arith.maximumf %add3A_18, %max3A_19 : vector<512x128xf32>
    %get3A_21 = arith.constant 0 : index
    %get3A_22 = arith.constant 0 : index
    %get3A_23 = vector.load %arg4[%get3A_21, %get3A_22] : memref<512x128xf32, #tpu.memory_space<vmem>>, vector<512x128xf32>
    %get3A_24 = arith.constant 0 : index
    %get3A_25 = arith.constant 0 : index
    %get3A_26 = vector.load %arg7[%get3A_24, %get3A_25] : memref<128x128xf32, #tpu.memory_space<vmem>>, vector<128x128xf32>
    %dot_general3A = arith.constant dense<0.000000e+00> : vector<512x128xf32>
    %dot_general3A_27 = tpu.matmul %get3A_23, %get3A_26, %dot_general3A {dimension_numbers = #tpu.dot_dimension_numbers<[1], [0], [0], [1], [0, 0, 1, 1], [], []>, transpose_lhs_hint = false} : vector<512x128xf32>, vector<128x128xf32>, vector<512x128xf32> -> vector<512x128xf32>
    %get3A_28 = arith.constant 0 : index
    %get3A_29 = arith.constant 0 : index
    %get3A_30 = vector.load %arg8[%get3A_28, %get3A_29] : memref<128x128xf32, #tpu.memory_space<vmem>>, vector<128x128xf32>
    %dot_general3A_31 = arith.constant dense<0.000000e+00> : vector<512x128xf32>
    %dot_general3A_32 = tpu.matmul %max3A_20, %get3A_30, %dot_general3A_31 {dimension_numbers = #tpu.dot_dimension_numbers<[1], [0], [0], [1], [0, 0, 1, 1], [], []>, transpose_lhs_hint = false} : vector<512x128xf32>, vector<128x128xf32>, vector<512x128xf32> -> vector<512x128xf32>
    %add3A_33 = arith.addf %dot_general3A_27, %dot_general3A_32 : vector<512x128xf32>
    %get3A_34 = arith.constant 0 : index
    %get3A_35 = arith.constant 0 : index
    %get3A_36 = vector.load %arg9[%get3A_34, %get3A_35] : memref<1x128xf32, #tpu.memory_space<vmem>>, vector<1x128xf32>
    %add3A_37 = vector.broadcast %get3A_36 : vector<1x128xf32> to vector<512x128xf32>
    %add3A_38 = arith.addf %add3A_33, %add3A_37 : vector<512x128xf32>
    %max3A_39 = arith.constant 0.000000e+00 : f32
    %max3A_40 = vector.broadcast %max3A_39 : f32 to vector<512x128xf32>
    %max3A_41 = arith.maximumf %add3A_38, %max3A_40 : vector<512x128xf32>
    %get3A_42 = arith.constant 0 : index
    %get3A_43 = arith.constant 0 : index
    %get3A_44 = vector.load %arg10[%get3A_42, %get3A_43] : memref<128x128xf32, #tpu.memory_space<vmem>>, vector<128x128xf32>
    %dot_general3A_45 = arith.constant dense<0.000000e+00> : vector<512x128xf32>
    %dot_general3A_46 = tpu.matmul %max3A_41, %get3A_44, %dot_general3A_45 {dimension_numbers = #tpu.dot_dimension_numbers<[1], [0], [0], [1], [0, 0, 1, 1], [], []>, transpose_lhs_hint = false} : vector<512x128xf32>, vector<128x128xf32>, vector<512x128xf32> -> vector<512x128xf32>
    %get3A_47 = arith.constant 0 : index
    %get3A_48 = arith.constant 0 : index
    %get3A_49 = vector.load %arg11[%get3A_47, %get3A_48] : memref<1x128xf32, #tpu.memory_space<vmem>>, vector<1x128xf32>
    %add3A_50 = vector.broadcast %get3A_49 : vector<1x128xf32> to vector<512x128xf32>
    %add3A_51 = arith.addf %dot_general3A_46, %add3A_50 : vector<512x128xf32>
    %swap3A = arith.constant 0 : index
    %swap3A_52 = arith.constant 0 : index
    %swap3A_53 = vector.load %arg12[%swap3A, %swap3A_52] : memref<512x128xf32, #tpu.memory_space<vmem>>, vector<512x128xf32>
    tpu.vector_store %arg12[%swap3A, %swap3A_52], %add3A_51 {strides = array<i32>} : memref<512x128xf32, #tpu.memory_space<vmem>>, vector<512x128xf32>,
    return
  }
  func.func @transform_0(%arg0: i32) -> (i32, i32) {
    %c0_i32 = arith.constant 0 : i32
    %c0_i32_0 = arith.constant 0 : i32
    return %arg0, %c0_i32 : i32, i32
  }
  func.func @transform_1(%arg0: i32) -> (i32, i32) {
    %c0_i32 = arith.constant 0 : i32
    %c0_i32_0 = arith.constant 0 : i32
    return %arg0, %c0_i32 : i32, i32
  }
  func.func @transform_2(%arg0: i32) -> (i32, i32) {
    %c0_i32 = arith.constant 0 : i32
    %c0_i32_0 = arith.constant 0 : i32
    return %arg0, %c0_i32 : i32, i32
  }
  func.func @transform_3(%arg0: i32) -> (i32, i32) {
    %c0_i32 = arith.constant 0 : i32
    %c0_i32_0 = arith.constant 0 : i32
    return %arg0, %c0_i32 : i32, i32
  }
  func.func @transform_4(%arg0: i32) -> (i32, i32) {
    %c0_i32 = arith.constant 0 : i32
    %c0_i32_0 = arith.constant 0 : i32
    %c0_i32_1 = arith.constant 0 : i32
    return %c0_i32, %c0_i32_0 : i32, i32
  }
  func.func @transform_5(%arg0: i32) -> (i32, i32) {
    %c0_i32 = arith.constant 0 : i32
    %c0_i32_0 = arith.constant 0 : i32
    %c0_i32_1 = arith.constant 0 : i32
    return %c0_i32, %c0_i32_0 : i32, i32
  }
  func.func @transform_6(%arg0: i32) -> (i32, i32) {
    %c0_i32 = arith.constant 0 : i32
    %c0_i32_0 = arith.constant 0 : i32
    %c0_i32_1 = arith.constant 0 : i32
    return %c0_i32, %c0_i32_0 : i32, i32
  }
  func.func @transform_7(%arg0: i32) -> (i32, i32) {
    %c0_i32 = arith.constant 0 : i32
    %c0_i32_0 = arith.constant 0 : i32
    %c0_i32_1 = arith.constant 0 : i32
    return %c0_i32, %c0_i32_0 : i32, i32
  }
  func.func @transform_8(%arg0: i32) -> (i32, i32) {
    %c0_i32 = arith.constant 0 : i32
    %c0_i32_0 = arith.constant 0 : i32
    %c0_i32_1 = arith.constant 0 : i32
    return %c0_i32, %c0_i32_0 : i32, i32
  }
  func.func @transform_9(%arg0: i32) -> (i32, i32) {
    %c0_i32 = arith.constant 0 : i32
    %c0_i32_0 = arith.constant 0 : i32
    %c0_i32_1 = arith.constant 0 : i32
    return %c0_i32, %c0_i32_0 : i32, i32
  }
  func.func @transform_10(%arg0: i32) -> (i32, i32) {
    %c0_i32 = arith.constant 0 : i32
    %c0_i32_0 = arith.constant 0 : i32
    %c0_i32_1 = arith.constant 0 : i32
    return %c0_i32, %c0_i32_0 : i32, i32
  }
  func.func @transform_11(%arg0: i32) -> (i32, i32) {
    %c0_i32 = arith.constant 0 : i32
    %c0_i32_0 = arith.constant 0 : i32
    return %arg0, %c0_i32 : i32, i32
  }
}

</mosaic_0001>

<sc_bundles>
// kernel: kernel.11.cloned.1.call-start
scs
__scs_entry_jumppad:
0x0: {  	(pc) =	sbr.rel $0x88, $3  }
0x1: {  	(tag) =	ssettag $0x0;
	lr =	simm.s32 $0x1  }
0x2: {  	[smem:$0x3F93] =	sst lr;
	_ =	strace $0xD0000000  }
0x3: {  	_ = 	snop  }
0x4: {  	_ = 	snop  }
0x5: {  	_ = 	snop  }
0x6: {  	_ = 	snop  }
0x7: {  	_ = 	snop  }
__scs_overlays_trampoline_lowered:
0x8: {  	[smem:$0x3FA2] =	sst s0  }
0x9: {  	[smem:$0x3FA3] =	sst s1  }
0xa: {  	[smem:$0x3FA4] =	sst s2  }
0xb: {  	[smem:$0x3FA5] =	sst s3  }
0xc: {  	[smem:$0x3FA6] =	sst s4  }
0xd: {  	[smem:$0x3FA7] =	sst s5  }
0xe: {  	[smem:$0x3FA8] =	sst s6  }
0xf: {  	[smem:$0x3FA9] =	sst s7  }
0x10: {  	[smem:$0x3FAA] =	sst s8  }
0x11: {  	[smem:$0x3FAB] =	sst s9;
	s0 =	simm.s32 @!p0 $0x0  }
0x12: {  	s1 =	sld [smem:$0x3F91];
	s0 =	simm.s32 @p0 $0x1  }
0x13: {  	[smem:$0x3FAC] =	sst s0;
	s0 =	simm.s32 @!p1 $0x0  }
0x14: {  	s2 =	sld [smem:$0x3F90];
	s0 =	simm.s32 @p1 $0x1  }
0x15: {  	[smem:$0x3FAD] =	sst s0;
	s0 =	simm.s32 @!p2 $0x0  }
0x16: {  	s3 =	sld [smem:$0x3FDB];
	s0 =	simm.s32 @p2 $0x1  }
0x17: {  	s4 =	simm.s32 $0x1BF5;
	[smem:$0x3FAF] =	sst s0  }
0x18: {  	s0 =	sld [smem:$0x3F92];
	_ =	swait.ge [sflag:s4], $0x0  }
0x19: {  	s7 =	sld [smem:$0x3F93]  }
0x1a: {  	s8 =	sadd.s32 $0xFFFFE003, lr  }
0x1b: {  	s9 =	sadd.s32 $0xFFFFFEF7, lr;
	s5 =	simm.s32 $0xFFFFFFFF;
	p2 =	slt.u32 s8, $0xFFFFF086  }
0x1c: {  	p1 =	slt.u32 s9, $0xF7A;
	s5 =	simm.s32 @!p2 $0x0  }
0x1d: {  	s5 =	simm.s32 @p1 $0x1;
	p0 =	seq.s32 s7, s2  }
0x1e: {  	s7 =	smul.u32 @!p0 $0xF7A, s2;
	p2 =	seq.s32 @!p0 s5, $0x0  }
0x1f: {  	s9 =	smul.u32 $0xF7A, s1;
	s8 =	simm.s32 @!p0 $0x1BF5;
	p2 =	por !p2, p0  }
0x20: {  	[sflag:s8] =	ssyncset.s32 @!p0 $0xFFFFF086;
	s6 =	sadd.s32 @!p0 s3, s7;
	s7 =	simm.s32 @!p0 $0x108  }
0x21: {  	s3 =	sadd.s32 s3, s9;
	s6 =	sadd.s32 @!p0 $0x88, s6;
	s7 =	simm.s32 @p2 $0x1082  }
0x22: {  	[simem:s7], [sflag:s8] =	dma.local @!p0 [hbm:s6], $0xF7A  }
0x23: {  	s9 =	sor.u32 $0xD0000000, s2;
	s6 =	simm.s32 $0x108;
	_ =	swait.ge @!p0 [sflag:s8], $0x0  }
0x24: {  	s3 =	sadd.s32 $0x88, s3;
	s6 =	simm.s32 @!p1 $0x1082;
	[sflag:s4] =	ssyncset.s32 $0xFFFFF086  }
0x25: {  	[simem:s6], [sflag:s4] =	dma.local [hbm:s3], $0xF7A  }
0x26: {  	[smem:$0x3F93] =	sst s1;
	(tag) =	ssettag s2;
	_ =	strace s9  }
0x27: {  	s1 =	sld [smem:$0x3FA3]  }
0x28: {  	s2 =	sld [smem:$0x3FA4]  }
0x29: {  	s4 =	sld [smem:$0x3FA6]  }
0x2a: {  	p0 =	seq.s32 s5, $0x0;
	s5 =	sld [smem:$0x3FA7]  }
0x2b: {  	s6 =	sld [smem:$0x3FA8]  }
0x2c: {  	s7 =	sld [smem:$0x3FA9]  }
0x2d: {  	s3 =	simm.s32 $0x108;
	s8 =	sld [smem:$0x3FAA]  }
0x2e: {  	s3 =	simm.s32 @!p0 $0x1082;
	s9 =	sld [smem:$0x3FAB]  }
0x2f: {  	lr =	sadd.s32 s0, s3;
	s0 =	sld [smem:$0x3FA2]  }
0x30: {  	s3 =	sld [smem:$0x3FA5]  }
0x31: {  	[smem:$0x3FAE] =	sst s10  }
0x32: {  	s10 =	sld [smem:$0x3FAC];
	_ =	sdelay $0x3  }
0x33: {  	p0 =	seq.s32 s10, $0x1;
	s10 =	sld [smem:$0x3FAE];
	_ =	sdelay $0x3  }
0x34: {  	[smem:$0x3FAE] =	sst s10  }
0x35: {  	s10 =	sld [smem:$0x3FAD];
	_ =	sdelay $0x3  }
0x36: {  	p1 =	seq.s32 s10, $0x1;
	s10 =	sld [smem:$0x3FAE];
	_ =	sdelay $0x3  }
0x37: {  	[smem:$0x3FAE] =	sst s10  }
0x38: {  	s10 =	sld [smem:$0x3FAF]  }
0x39: {  	_ = 	snop;
	(pc) =	sbr.ind lr, $3  }
0x3a: {  	_ = 	snop  }
0x3b: {  	_ = 	snop  }
0x3c: {  	p2 =	seq.s32 s10, $0x1;
	s10 =	sld [smem:$0x3FAE]  }
0x3d: {  	_ =	shalt  }
0x3e: {  	_ =	shalt  }
0x3f: {  	_ =	shalt  }
0x40: {  	_ =	shalt  }
0x41: {  	_ =	shalt  }
0x42: {  	_ =	shalt  }
0x43: {  	_ =	shalt  }
0x44: {  	_ =	shalt  }
0x45: {  	_ =	shalt  }
0x46: {  	_ =	shalt  }
0x47: {  	_ =	shalt  }
0x48: {  	_ =	shalt  }
0x49: {  	_ =	shalt  }
0x4a: {  	_ =	shalt  }
0x4b: {  	_ =	shalt  }
0x4c: {  	_ =	shalt  }
0x4d: {  	_ =	shalt  }
0x4e: {  	_ =	shalt  }
0x4f: {  	_ =	shalt  }
0x50: {  	_ =	shalt  }
0x51: {  	_ =	shalt  }
0x52: {  	_ =	shalt  }
0x53: {  	_ =	shalt  }
0x54: {  	_ =	shalt  }
0x55: {  	_ =	shalt  }
0x56: {  	_ =	shalt  }
0x57: {  	_ =	shalt  }
0x58: {  	_ =	shalt  }
0x59: {  	_ =	shalt  }
0x5a: {  	_ =	shalt  }
0x5b: {  	_ =	shalt  }
0x5c: {  	_ =	shalt  }
0x5d: {  	_ =	shalt  }
0x5e: {  	_ =	shalt  }
0x5f: {  	_ =	shalt  }
0x60: {  	_ =	shalt  }
0x61: {  	_ =	shalt  }
0x62: {  	_ =	shalt  }
0x63: {  	_ =	shalt  }
0x64: {  	_ =	shalt  }
0x65: {  	_ =	shalt  }
0x66: {  	_ =	shalt  }
0x67: {  	_ =	shalt  }
0x68: {  	_ =	shalt  }
0x69: {  	_ =	shalt  }
0x6a: {  	_ =	shalt  }
0x6b: {  	_ =	shalt  }
0x6c: {  	_ =	shalt  }
0x6d: {  	_ =	shalt  }
0x6e: {  	_ =	shalt  }
0x6f: {  	_ =	shalt  }
0x70: {  	_ =	shalt  }
0x71: {  	_ =	shalt  }
0x72: {  	_ =	shalt  }
0x73: {  	_ =	shalt  }
0x74: {  	_ =	shalt  }
0x75: {  	_ =	shalt  }
0x76: {  	_ =	shalt  }
0x77: {  	_ =	shalt  }
0x78: {  	_ =	shalt  }
0x79: {  	_ =	shalt  }
0x7a: {  	_ =	shalt  }
0x7b: {  	_ =	shalt  }
0x7c: {  	_ =	shalt  }
0x7d: {  	_ =	shalt  }
0x7e: {  	_ =	shalt  }
0x7f: {  	_ =	shalt  }
0x80: {  	_ =	shalt  }
0x81: {  	_ =	shalt  }
0x82: {  	_ =	shalt  }
0x83: {  	_ =	shalt  }
0x84: {  	_ =	shalt  }
0x85: {  	_ =	shalt  }
0x86: {  	_ =	shalt  }
0x87: {  	_ =	shalt  }
.Lfunc_end0:
.L_simem_size_0:
called_computation.1_lowered:
.L_overlay_start_0:
0x88: {  	s2 =	sld [smem:$0x3FD9]  }
0x89: {  	s3 =	sld [smem:$0x3FFE];
	_ =	sdelay $0x1  }
0x8a: {  	s1 =	srdreg.scid  }
0x8b: {  	s0 =	sand.u32 $0x1, s1  }
0x8c: {  	s17 =	sshll.u32 s0, $0xA;
	s2 =	sadd.s32 s3, s2  }
0x8d: {  	s2 =	sadd.s32 s2, s17  }
0x8e: {  	[smem:$0x3FBA] =	sst s2  }
0x8f: {  	_ = 	snop  }
0x90: {  	s2 =	sld [smem:$0x3FD0];
	(tm) =	ssettm $0x1  }
0x91: {  	s18 =	sld [smem:$0x3FFB];
	_ =	sdelay $0x3  }
0x92: {  	_ =	strace s18  }
0x93: {  	s3 =	sld [smem:$0x3FFC];
	_ =	sdelay $0x3  }
0x94: {  	_ =	strace s3  }
0x95: {  	s3 =	sld [smem:$0x3FFD];
	_ =	sdelay $0x3  }
0x96: {  	_ =	strace s3  }
0x97: {  	_ =	strace $0x8FFFFFFF  }
0x98: {  	s19 =	sld [smem:$0x3FDB];
	_ =	sdelay $0x1  }
0x99: {  	s4 =	simm.s32 $_scs_section_size  }
0x9a: {  	s5 =	simm.s32 $_size__tile_overlayer_lowered;
	s6 =	simm.s32 $_tile_overlayer_lowered  }
0x9b: {  	s22 =	simm.s32 $0x1BFF;
	s21 =	sshll.u32 s6, $0x1;
	s3 =	sadd.s32 s4, s19  }
0x9c: {  	s7 =	simm.s32 $0x0;
	s20 =	sshll.u32 s5, $0x1;
	s5 =	sadd.s32 s21, s3  }
0x9d: {  	[timem:s7], [sflag:s22] =	dma.local [hbm:s5], s20  }
0x9e: {  	_ =	swait.ge [sflag:s22], s20  }
0x9f: {  	s4 =	ssub.s32 $0x0, s20;
	[sflag:s22] =	ssyncset.done $0x0  }
0xa0: {  	[sflag:s22] =	ssyncadd.s32 s4;
	_ =	sdelay $0x1  }
0xa1: {  	s23 =	simm.s32 $0x1B8B  }
0xa2: {  	_ =	swait.ge [sflag:s23], $0x1  }
0xa3: {  	[sflag:s23] =	ssyncset.done $0x0  }
0xa4: {  	s25 =	simm.s32 $0x1B8E;
	s24 =	sld [smem:$0x3FFE];
	[sflag:s23] =	ssyncadd.s32 $0xFFFFFFFF  }
0xa5: {  	s26 =	simm.s32 $execute0_lowered;
	[smem:$0x3FD2] =	sst s25  }
0xa6: {  	s5 =	sshll.u32 s26, $0x1;
	_ =	strace $0x80000049;
	[dreg:$0x1] =	wrdreg $0xFFFFFFFF  }
0xa7: {  	s28 =	simm.s32 $_size_execute0_lowered;
	s3 =	sadd.s32 s3, s5;
	[dreg:$0x0] =	wrdreg $0x0  }
0xa8: {  	s5 =	sshll.u32 s28, $0x1;
	[dreg:$0x2] =	wrdreg s3  }
0xa9: {  	[dreg:$0x3] =	wrdreg s5  }
0xaa: {  	[dreg:$0x4] =	wrdreg $0xC0  }
0xab: {  	_ =	task [dreg:s7], $0x5FFFF  }
0xac: {  	[dreg:$0x1] =	wrdreg $0xFFFFFFFF  }
0xad: {  	[dreg:$0x0] =	wrdreg $0x60  }
0xae: {  	[dreg:$0x2] =	wrdreg s24  }
0xaf: {  	[dreg:$0x3] =	wrdreg s2  }
0xb0: {  	[dreg:$0x4] =	wrdreg $0xA8000  }
0xb1: {  	[dreg:$0x5] =	wrdreg $0x9  }
0xb2: {  	_ =	task.clear_ibuf [dreg:s7], $0x6FFFF;
	_ =	strace $0x90000049  }
0xb3: {  	s29 =	simm.s32 $0x9;
	_ =	strace $0x8000004B  }
0xb4: {  	_ =	swait.ge [sflag:s29], $0x1  }
0xb5: {  	[sflag:s29] =	ssyncadd.s32 $0xFFFFFFFF  }
0xb6: {  	_ =	strace $0x9000004B  }
0xb7: {  	_ =	sfence  }
0xb8: {  	s30 =	sld [smem:$0x0];
	_ =	sdelay $0x2  }
0xb9: {  	s31 =	sshll.u32 s1, $0xD;
	s1 =	sshrl.u32 s1, $0x2  }
0xba: {  	s3 =	sand.u32 $0x4000, s31;
	s1 =	sadd.s32 s1, s30  }
0xbb: {  	s0 =	sor.u32 s3, s0;
	s1 =	sshll.u32 s1, $0x11  }
0xbc: {  	s0 =	sor.u32 s1, s0  }
0xbd: {  	s0 =	sadd.s32 $0x8F2B, s0  }
0xbe: {  	[sflag:s0] =	ssyncadd.remote.s32 $0x1  }
0xbf: {  	_ =	sfence.sel $0xFFFF  }
0xc0: {  	[dreg:$0x0] =	wrdreg $0xFFFFFFFF;
	(pc) =	sbr.abs _section_cstart, $3  }
0xc1: {  	[dreg:$0x1] =	wrdreg $0xFFFFFFFF  }
0xc2: {  	_ =	task.clear_ibuf [dreg:s7], $0x2FFFF;
	_ =	strace $0x9FFFFFFF  }
0xc3: {  	(tm) =	ssettm $0x7FFFFFFF  }
tec
execute0_lowered:
.L_overlay_start_1:
0x0: {  	(tag) =	ssettag $0x1  }
0x1: {  	s5 =	rddreg [dreg:$0x0]  }
0x2: {  	s8 =	rddreg [dreg:$0x1]  }
0x3: {  	s1 =	rddreg [dreg:$0x2];
	s2 =	srdreg.scid  }
0x4: {  	s0 =	rddreg [dreg:$0x3];
	s3 =	simm.s32 $0x0;
	s17 =	simm.s32 $0x2800  }
0x5: {  	s18 =	simm.s32 $0x6800;
	s19 =	simm.s32 $0x1;
	s20 =	simm.s32 $0x2700  }
0x6: {  	s21 =	simm.s32 $0x2780;
	s6 =	sand.u32 $0x1, s2;
	s2 =	stileid.u32  }
0x7: {  	s22 =	simm.s32 $0x0;
	[smem:$0x7FF] =	sst s3;
	s7 =	smul.u32 $0x140000, s6  }
0x8: {  	s4 =	sadd.s32 $0xE600, s5;
	s10 =	sadd.s32 $0x4600, s5;
	s9 =	smul.u32 $0x14000, s2  }
0x9: {  	s12 =	sadd.s32 $0x5E600, s5;
	_ =	strace $0x8000004A;
	s11 =	smul.u32 $0x50000, s2  }
0xa: {  	s25 =	sshll.u32 s6, $0x4;
	s13 =	ssub.s32 $0x2, s6;
	s14 =	smul.u32 $0x2800, s2  }
0xb: {  	p0 =	seq.s32 s6, $0x1;
	s31 =	sshll.u32 s2, $0x6;
	s26 =	sshrl.u32 s13, $0x1  }
0xc: {  	s7 =	sadd.s32 s9, s7;
	s9 =	sor.u32 s2, s25;
	s13 =	ssub.s32 s13, s26  }
0xd: {  	s29 =	sshrl.u32 s11, $0x2;
	s7 =	sshrl.u32 s7, $0x3;
	s28 =	smul.u32 $0x2800, s9  }
0xe: {  	s9 =	smul.u32 $0x500, s9;
	s16 =	sadd.s32 s29, s1;
	s11 =	smax.u32 s13, $0x1  }
0xf: {  	s15 =	sadd.s32 s7, s5;
	s5 =	sadd.s32 s4, s14;
	s13 =	sshrl.u32 s16, $0x3  }
0x10: {  	s14 =	simm.s32 $0x2;
	s16 =	simm.s32 $0x80;
	s7 =	sshrl.u32 s28, $0x3  }
0x11: {  	s6 =	sadd.s32 s8, s9;
	s5 =	smov.u32 @p0 s12;
	s30 =	sadd.s32 $0x280, s7  }
0x12: {  	s12 =	sor.u32 $0x1C02, s31;
	s7 =	sadd.s32 s10, s9;
	s8 =	sadd.s32 s8, s30  }
0x13: {  	s9 =	sadd.s32 s10, s30;
	s10 =	sadd.s32 $0x60E00, s15;
	s15 =	simm.s32 $0x1400  }
.LBB2_1:
0x14: {  	[spmem:s13], [sflag:s12] =	dma.local [hbm:s5], $0x2800  }
0x15: {  	_ =	swait.ge [sflag:s14], $0x2800  }
0x16: {  	[sflag:s14] =	ssyncset.done $0x0  }
0x17: {  	[sflag:s14] =	ssyncadd.s32 $0xFFFFD800  }
0x18: {  	[bflag:$0x0] =	sbarrier.arrive $0xFFFF  }
0x19: {  	[tilespmem:s3], [sflag:$0x2] =	stream.linear.gather [hbm4b:s6+s3], $0x1400, $0x38;
	[tilespmem:$0x1E800] =	vst v63  }
0x1a: {  	_ =	swait.ge [sflag:s14], $0x1400  }
0x1b: {  	[sflag:s14] =	ssyncset.done $0x0  }
0x1c: {  	[sflag:s14] =	ssyncadd.s32 $0xFFFFEC00  }
0x1d: {  	[tilespmem:s15], [sflag:$0x2] =	stream.linear.gather [hbm4b:s7+s3], $0x1400, $0x38;
	[tilespmem:$0x1E800] =	vst v63  }
0x1e: {  	_ =	swait.ge [sflag:s14], $0x1400  }
0x1f: {  	[sflag:s14] =	ssyncset.done $0x0  }
0x20: {  	[sflag:s14] =	ssyncadd.s32 $0xFFFFEC00  }
0x21: {  	[tilespmem:s17], [sflag:$0x1] =	stream.indirect.gather [hbm4b:s4+s16], $0x80, s3, s16, $0xb8;
	[tilespmem:$0x1E800] =	vst v63  }
0x22: {  	_ = 	snop  }
0x23: {  	[tilespmem:s18], [sflag:$0x1] =	stream.indirect.gather [hbm4b:s4+s16], $0x80, s16, s16, $0xb8;
	[tilespmem:$0x1E800] =	vst v63  }
0x24: {  	_ =	swait.ge [sflag:s19], $0x4000  }
0x25: {  	[sflag:s19] =	ssyncset.done $0x0  }
0x26: {  	s23 =	simm.s32 $0x1400;
	[sflag:s19] =	ssyncadd.s32 $0xFFFFC000  }
0x27: {  	[spmem:s1] =	stream.indirect.scatter.add.f32 [tilespmem:s17], [sflag:$0x2], $0x80, s23, s16, $0xb8;
	[tilespmem:$0x1E800] =	vst v63  }
0x28: {  	_ =	swait.ge [sflag:s14], $0x4000  }
0x29: {  	[sflag:s14] =	ssyncset.done $0x0  }
0x2a: {  	s30 =	simm.s32 $0x100;
	[sflag:s14] =	ssyncadd.s32 $0xFFFFC000  }
0x2b: {  	[tilespmem:s17], [sflag:$0x1] =	stream.indirect.gather [hbm4b:s4+s16], $0x80, s30, s16, $0xb8;
	[tilespmem:$0x1E800] =	vst v63  }
0x2c: {  	_ =	swait.ge [sflag:s19], $0x4000  }
0x2d: {  	[sflag:s19] =	ssyncset.done $0x0  }
0x2e: {  	s31 =	simm.s32 $0x1480;
	[sflag:s19] =	ssyncadd.s32 $0xFFFFC000  }
0x2f: {  	[spmem:s1] =	stream.indirect.scatter.add.f32 [tilespmem:s18], [sflag:$0x2], $0x80, s31, s16, $0xb8;
	[tilespmem:$0x1E800] =	vst v63  }
0x30: {  	_ =	swait.ge [sflag:s14], $0x4000  }
0x31: {  	[sflag:s14] =	ssyncset.done $0x0  }
0x32: {  	s24 =	simm.s32 $0x180;
	s23 =	simm.s32 $0x400;
	[sflag:s14] =	ssyncadd.s32 $0xFFFFC000  }
.LBB2_2:
0x33: {  	[tilespmem:s18], [sflag:$0x1] =	stream.indirect.gather [hbm4b:s4+s16], $0x80, s24, s16, $0xb8;
	[tilespmem:$0x1E800] =	vst v63  }
0x34: {  	s24 =	smov.u32 s23  }
0x35: {  	p0 =	sne.s32 s23, $0x4800;
	s23 =	sadd.s32 $0x400, s23;
	_ =	swait.ge [sflag:s19], $0x4000  }
0x36: {  	s24 =	sshra.s32 s24, $0x2;
	[sflag:s19] =	ssyncset.done $0x0  }
0x37: {  	s25 =	sadd.s32 $0x1400, s24;
	[sflag:s19] =	ssyncadd.s32 $0xFFFFC000  }
0x38: {  	[spmem:s1] =	stream.indirect.scatter.add.f32 [tilespmem:s17], [sflag:$0x2], $0x80, s25, s16, $0xb8;
	[tilespmem:$0x1E800] =	vst v63  }
0x39: {  	_ =	swait.ge [sflag:s14], $0x4000  }
0x3a: {  	[sflag:s14] =	ssyncset.done $0x0  }
0x3b: {  	s25 =	sadd.s32 $0x100, s24;
	[sflag:s14] =	ssyncadd.s32 $0xFFFFC000  }
0x3c: {  	[tilespmem:s17], [sflag:$0x1] =	stream.indirect.gather [hbm4b:s4+s16], $0x80, s25, s16, $0xb8;
	[tilespmem:$0x1E800] =	vst v63  }
0x3d: {  	_ =	swait.ge [sflag:s19], $0x4000  }
0x3e: {  	[sflag:s19] =	ssyncset.done $0x0  }
.Ltmp0:
0x3f: {  	s25 =	sadd.s32 $0x1480, s24;
	[sflag:s19] =	ssyncadd.s32 $0xFFFFC000;
	(pc) =	sbr.rel @p0 .LBB2_2-.Ltmp0, $4  }
0x40: {  	[spmem:s1] =	stream.indirect.scatter.add.f32 [tilespmem:s18], [sflag:$0x2], $0x80, s25, s16, $0xb8;
	[tilespmem:$0x1E800] =	vst v63  }
0x41: {  	_ =	swait.ge [sflag:s14], $0x4000  }
0x42: {  	[sflag:s14] =	ssyncset.done $0x0  }
0x43: {  	s24 =	sadd.s32 $0x180, s24;
	[sflag:s14] =	ssyncadd.s32 $0xFFFFC000  }
0x44: {  	[tilespmem:s18], [sflag:$0x1] =	stream.indirect.gather [hbm4b:s4+s16], $0x80, s24, s16, $0xb8;
	[tilespmem:$0x1E800] =	vst v63  }
0x45: {  	_ =	swait.ge [sflag:s19], $0x4000  }
0x46: {  	[sflag:s19] =	ssyncset.done $0x0  }
0x47: {  	[sflag:s19] =	ssyncadd.s32 $0xFFFFC000  }
0x48: {  	[spmem:s1] =	stream.indirect.scatter.add.f32 [tilespmem:s17], [sflag:$0x2], $0x80, s20, s16, $0xb8;
	[tilespmem:$0x1E800] =	vst v63  }
0x49: {  	_ =	swait.ge [sflag:s14], $0x4000  }
0x4a: {  	[sflag:s14] =	ssyncset.done $0x0  }
0x4b: {  	[sflag:s14] =	ssyncadd.s32 $0xFFFFC000  }
0x4c: {  	_ =	swait.ge [sflag:s19], $0x4000  }
0x4d: {  	[sflag:s19] =	ssyncset.done $0x0  }
0x4e: {  	[sflag:s19] =	ssyncadd.s32 $0xFFFFC000  }
0x4f: {  	[spmem:s1] =	stream.indirect.scatter.add.f32 [tilespmem:s18], [sflag:$0x2], $0x80, s21, s16, $0xb8;
	[tilespmem:$0x1E800] =	vst v63  }
0x50: {  	_ =	swait.ge [sflag:s14], $0x4000  }
0x51: {  	[sflag:s14] =	ssyncset.done $0x0  }
0x52: {  	s23 =	simm.s32 $0x0;
	[sflag:s14] =	ssyncadd.s32 $0xFFFFC000  }
0x53: {  	[tilespmem:s23], [sflag:$0x2] =	stream.linear.gather [hbm4b:s8+s23], $0x1400, $0x38;
	[tilespmem:$0x1E800] =	vst v63  }
0x54: {  	_ =	swait.ge [sflag:s14], $0x1400  }
0x55: {  	[sflag:s14] =	ssyncset.done $0x0  }
0x56: {  	[sflag:s14] =	ssyncadd.s32 $0xFFFFEC00  }
0x57: {  	[tilespmem:s15], [sflag:$0x2] =	stream.linear.gather [hbm4b:s9+s23], $0x1400, $0x38;
	[tilespmem:$0x1E800] =	vst v63  }
0x58: {  	_ =	swait.ge [sflag:s14], $0x1400  }
0x59: {  	[sflag:s14] =	ssyncset.done $0x0  }
0x5a: {  	[sflag:s14] =	ssyncadd.s32 $0xFFFFEC00  }
0x5b: {  	[tilespmem:s17], [sflag:$0x1] =	stream.indirect.gather [hbm4b:s4+s16], $0x80, s23, s16, $0xb8;
	[tilespmem:$0x1E800] =	vst v63  }
0x5c: {  	_ = 	snop  }
0x5d: {  	[tilespmem:s18], [sflag:$0x1] =	stream.indirect.gather [hbm4b:s4+s16], $0x80, s16, s16, $0xb8;
	[tilespmem:$0x1E800] =	vst v63  }
0x5e: {  	_ =	swait.ge [sflag:s19], $0x4000  }
0x5f: {  	[sflag:s19] =	ssyncset.done $0x0  }
0x60: {  	s29 =	simm.s32 $0x1400;
	[sflag:s19] =	ssyncadd.s32 $0xFFFFC000  }
0x61: {  	[spmem:s1] =	stream.indirect.scatter.add.f32 [tilespmem:s17], [sflag:$0x2], $0x80, s29, s16, $0xb8;
	[tilespmem:$0x1E800] =	vst v63  }
0x62: {  	_ =	swait.ge [sflag:s14], $0x4000  }
0x63: {  	[sflag:s14] =	ssyncset.done $0x0  }
0x64: {  	s30 =	simm.s32 $0x100;
	[sflag:s14] =	ssyncadd.s32 $0xFFFFC000  }
0x65: {  	[tilespmem:s17], [sflag:$0x1] =	stream.indirect.gather [hbm4b:s4+s16], $0x80, s30, s16, $0xb8;
	[tilespmem:$0x1E800] =	vst v63  }
0x66: {  	_ =	swait.ge [sflag:s19], $0x4000  }
0x67: {  	[sflag:s19] =	ssyncset.done $0x0  }
0x68: {  	s31 =	simm.s32 $0x1480;
	[sflag:s19] =	ssyncadd.s32 $0xFFFFC000  }
0x69: {  	[spmem:s1] =	stream.indirect.scatter.add.f32 [tilespmem:s18], [sflag:$0x2], $0x80, s31, s16, $0xb8;
	[tilespmem:$0x1E800] =	vst v63  }
0x6a: {  	_ =	swait.ge [sflag:s14], $0x4000  }
0x6b: {  	[sflag:s14] =	ssyncset.done $0x0  }
0x6c: {  	s24 =	simm.s32 $0x180;
	s23 =	simm.s32 $0x400;
	[sflag:s14] =	ssyncadd.s32 $0xFFFFC000  }
.LBB2_4:
0x6d: {  	[tilespmem:s18], [sflag:$0x1] =	stream.indirect.gather [hbm4b:s4+s16], $0x80, s24, s16, $0xb8;
	[tilespmem:$0x1E800] =	vst v63  }
0x6e: {  	s24 =	smov.u32 s23  }
0x6f: {  	p0 =	sne.s32 s23, $0x4800;
	s23 =	sadd.s32 $0x400, s23;
	_ =	swait.ge [sflag:s19], $0x4000  }
0x70: {  	s24 =	sshra.s32 s24, $0x2;
	[sflag:s19] =	ssyncset.done $0x0  }
0x71: {  	s25 =	sadd.s32 $0x1400, s24;
	[sflag:s19] =	ssyncadd.s32 $0xFFFFC000  }
0x72: {  	[spmem:s1] =	stream.indirect.scatter.add.f32 [tilespmem:s17], [sflag:$0x2], $0x80, s25, s16, $0xb8;
	[tilespmem:$0x1E800] =	vst v63  }
0x73: {  	_ =	swait.ge [sflag:s14], $0x4000  }
0x74: {  	[sflag:s14] =	ssyncset.done $0x0  }
0x75: {  	s25 =	sadd.s32 $0x100, s24;
	[sflag:s14] =	ssyncadd.s32 $0xFFFFC000  }
0x76: {  	[tilespmem:s17], [sflag:$0x1] =	stream.indirect.gather [hbm4b:s4+s16], $0x80, s25, s16, $0xb8;
	[tilespmem:$0x1E800] =	vst v63  }
0x77: {  	_ =	swait.ge [sflag:s19], $0x4000  }
0x78: {  	[sflag:s19] =	ssyncset.done $0x0  }
.Ltmp1:
0x79: {  	s25 =	sadd.s32 $0x1480, s24;
	[sflag:s19] =	ssyncadd.s32 $0xFFFFC000;
	(pc) =	sbr.rel @p0 .LBB2_4-.Ltmp1, $4  }
0x7a: {  	[spmem:s1] =	stream.indirect.scatter.add.f32 [tilespmem:s18], [sflag:$0x2], $0x80, s25, s16, $0xb8;
	[tilespmem:$0x1E800] =	vst v63  }
0x7b: {  	_ =	swait.ge [sflag:s14], $0x4000  }
0x7c: {  	[sflag:s14] =	ssyncset.done $0x0  }
0x7d: {  	s24 =	sadd.s32 $0x180, s24;
	[sflag:s14] =	ssyncadd.s32 $0xFFFFC000  }
0x7e: {  	[tilespmem:s18], [sflag:$0x1] =	stream.indirect.gather [hbm4b:s4+s16], $0x80, s24, s16, $0xb8;
	[tilespmem:$0x1E800] =	vst v63  }
0x7f: {  	_ =	swait.ge [sflag:s19], $0x4000  }
0x80: {  	[sflag:s19] =	ssyncset.done $0x0  }
0x81: {  	[sflag:s19] =	ssyncadd.s32 $0xFFFFC000  }
0x82: {  	[spmem:s1] =	stream.indirect.scatter.add.f32 [tilespmem:s17], [sflag:$0x2], $0x80, s20, s16, $0xb8;
	[tilespmem:$0x1E800] =	vst v63  }
0x83: {  	_ =	swait.ge [sflag:s14], $0x4000  }
0x84: {  	[sflag:s14] =	ssyncset.done $0x0  }
0x85: {  	[sflag:s14] =	ssyncadd.s32 $0xFFFFC000  }
0x86: {  	_ =	swait.ge [sflag:s19], $0x4000  }
0x87: {  	[sflag:s19] =	ssyncset.done $0x0  }
0x88: {  	[sflag:s19] =	ssyncadd.s32 $0xFFFFC000  }
0x89: {  	[spmem:s1] =	stream.indirect.scatter.add.f32 [tilespmem:s18], [sflag:$0x2], $0x80, s21, s16, $0xb8;
	[tilespmem:$0x1E800] =	vst v63  }
0x8a: {  	_ =	swait.ge [sflag:s14], $0x4000  }
0x8b: {  	s22 =	sadd.s32 $0x1, s22;
	[sflag:s14] =	ssyncset.done $0x0  }
0x8c: {  	p0 =	sne.s32 s22, s11;
	[sflag:s14] =	ssyncadd.s32 $0xFFFFC000  }
.Ltmp2:
0x8d: {  	[bflag:$0x0] =	sbarrier.arrive $0xFFFF;
	(pc) =	sbr.rel @p0 .LBB2_1-.Ltmp2, $4  }
0x8e: {  	[hbm:s10], [sflag:s12] =	dma.local [spmem:s13], $0x2800  }
0x8f: {  	_ =	swait.ge [sflag:s14], $0x2800  }
0x90: {  	[sflag:s14] =	ssyncset.done $0x0  }
0x91: {  	[sflag:s14] =	ssyncadd.s32 $0xFFFFD800  }
0x92: {  	_ =	sfence.sel $0x180000  }
0x93: {  	[bflag:$0x0] =	sbarrier.arrive $0xFFFF  }
0x94: {  	p0 =	sne.s32 s2, $0x0;
	_ =	strace $0x9000004A  }
0x95: {  	s0 =	sadd.s32 @!p0 $0x100000, s0;
	[bflag:$0x2] =	sbarrier.arrive $0xFFFF  }
0x96: {  	[sflag:s0] =	ssyncadd.tile.s32 @!p0 $0x1;
	_ =	shalt  }
.Lfunc_end2:
_tile_overlayer_lowered:
.L_overlay_start_2:
0x97: {  	(tag) =	ssettag $0x2  }
0x98: {  	s0 =	rddreg [dreg:$0x0];
	s2 =	stileid.u32  }
0x99: {  	s1 =	rddreg [dreg:$0x1];
	p0 =	sne.s32 s2, $0x0  }
0x9a: {  	s3 =	rddreg [dreg:$0x2];
	[bflag:$0x3] =	sbarrier.arrive $0xFFFF;
	s2 =	simm.s32 @!p0 $0x1C02  }
0x9b: {  	[timem:s3], [sflag:s2] =	dma.local @!p0 [hbm:s0], s1  }
0x9c: {  	s0 =	simm.s32 @!p0 $0x2  }
0x9d: {  	_ =	swait.ge @!p0 [sflag:s0], s1  }
0x9e: {  	s1 =	ssub.s32 @!p0 $0x0, s1;
	[sflag:s0] =	ssyncset.done @!p0 $0x0  }
0x9f: {  	[sflag:s0] =	ssyncadd.s32 @!p0 s1  }
0xa0: {  	[bflag:$0x3] =	sbarrier.arrive $0xFFFF  }
0xa1: {  	_ =	shalt  }

// kernel: kernel.14.cloned.1.call-start
scs
__scs_entry_jumppad:
0x0: {  	(pc) =	sbr.rel $0x88, $3  }
0x1: {  	(tag) =	ssettag $0x0;
	lr =	simm.s32 $0x1  }
0x2: {  	[smem:$0x3F93] =	sst lr;
	_ =	strace $0xD0000000  }
0x3: {  	_ = 	snop  }
0x4: {  	_ = 	snop  }
0x5: {  	_ = 	snop  }
0x6: {  	_ = 	snop  }
0x7: {  	_ = 	snop  }
__scs_overlays_trampoline_lowered:
0x8: {  	[smem:$0x3FA2] =	sst s0  }
0x9: {  	[smem:$0x3FA3] =	sst s1  }
0xa: {  	[smem:$0x3FA4] =	sst s2  }
0xb: {  	[smem:$0x3FA5] =	sst s3  }
0xc: {  	[smem:$0x3FA6] =	sst s4  }
0xd: {  	[smem:$0x3FA7] =	sst s5  }
0xe: {  	[smem:$0x3FA8] =	sst s6  }
0xf: {  	[smem:$0x3FA9] =	sst s7  }
0x10: {  	[smem:$0x3FAA] =	sst s8  }
0x11: {  	[smem:$0x3FAB] =	sst s9;
	s0 =	simm.s32 @!p0 $0x0  }
0x12: {  	s1 =	sld [smem:$0x3F91];
	s0 =	simm.s32 @p0 $0x1  }
0x13: {  	[smem:$0x3FAC] =	sst s0;
	s0 =	simm.s32 @!p1 $0x0  }
0x14: {  	s2 =	sld [smem:$0x3F90];
	s0 =	simm.s32 @p1 $0x1  }
0x15: {  	[smem:$0x3FAD] =	sst s0;
	s0 =	simm.s32 @!p2 $0x0  }
0x16: {  	s3 =	sld [smem:$0x3FDB];
	s0 =	simm.s32 @p2 $0x1  }
0x17: {  	s4 =	simm.s32 $0x1BF5;
	[smem:$0x3FAF] =	sst s0  }
0x18: {  	s0 =	sld [smem:$0x3F92];
	_ =	swait.ge [sflag:s4], $0x0  }
0x19: {  	s7 =	sld [smem:$0x3F93]  }
0x1a: {  	s8 =	sadd.s32 $0xFFFFE003, lr  }
0x1b: {  	s9 =	sadd.s32 $0xFFFFFEF7, lr;
	s5 =	simm.s32 $0xFFFFFFFF;
	p2 =	slt.u32 s8, $0xFFFFF086  }
0x1c: {  	p1 =	slt.u32 s9, $0xF7A;
	s5 =	simm.s32 @!p2 $0x0  }
0x1d: {  	s5 =	simm.s32 @p1 $0x1;
	p0 =	seq.s32 s7, s2  }
0x1e: {  	s7 =	smul.u32 @!p0 $0xF7A, s2;
	p2 =	seq.s32 @!p0 s5, $0x0  }
0x1f: {  	s9 =	smul.u32 $0xF7A, s1;
	s8 =	simm.s32 @!p0 $0x1BF5;
	p2 =	por !p2, p0  }
0x20: {  	[sflag:s8] =	ssyncset.s32 @!p0 $0xFFFFF086;
	s6 =	sadd.s32 @!p0 s3, s7;
	s7 =	simm.s32 @!p0 $0x108  }
0x21: {  	s3 =	sadd.s32 s3, s9;
	s6 =	sadd.s32 @!p0 $0x88, s6;
	s7 =	simm.s32 @p2 $0x1082  }
0x22: {  	[simem:s7], [sflag:s8] =	dma.local @!p0 [hbm:s6], $0xF7A  }
0x23: {  	s9 =	sor.u32 $0xD0000000, s2;
	s6 =	simm.s32 $0x108;
	_ =	swait.ge @!p0 [sflag:s8], $0x0  }
0x24: {  	s3 =	sadd.s32 $0x88, s3;
	s6 =	simm.s32 @!p1 $0x1082;
	[sflag:s4] =	ssyncset.s32 $0xFFFFF086  }
0x25: {  	[simem:s6], [sflag:s4] =	dma.local [hbm:s3], $0xF7A  }
0x26: {  	[smem:$0x3F93] =	sst s1;
	(tag) =	ssettag s2;
	_ =	strace s9  }
0x27: {  	s1 =	sld [smem:$0x3FA3]  }
0x28: {  	s2 =	sld [smem:$0x3FA4]  }
0x29: {  	s4 =	sld [smem:$0x3FA6]  }
0x2a: {  	p0 =	seq.s32 s5, $0x0;
	s5 =	sld [smem:$0x3FA7]  }
0x2b: {  	s6 =	sld [smem:$0x3FA8]  }
0x2c: {  	s7 =	sld [smem:$0x3FA9]  }
0x2d: {  	s3 =	simm.s32 $0x108;
	s8 =	sld [smem:$0x3FAA]  }
0x2e: {  	s3 =	simm.s32 @!p0 $0x1082;
	s9 =	sld [smem:$0x3FAB]  }
0x2f: {  	lr =	sadd.s32 s0, s3;
	s0 =	sld [smem:$0x3FA2]  }
0x30: {  	s3 =	sld [smem:$0x3FA5]  }
0x31: {  	[smem:$0x3FAE] =	sst s10  }
0x32: {  	s10 =	sld [smem:$0x3FAC];
	_ =	sdelay $0x3  }
0x33: {  	p0 =	seq.s32 s10, $0x1;
	s10 =	sld [smem:$0x3FAE];
	_ =	sdelay $0x3  }
0x34: {  	[smem:$0x3FAE] =	sst s10  }
0x35: {  	s10 =	sld [smem:$0x3FAD];
	_ =	sdelay $0x3  }
0x36: {  	p1 =	seq.s32 s10, $0x1;
	s10 =	sld [smem:$0x3FAE];
	_ =	sdelay $0x3  }
0x37: {  	[smem:$0x3FAE] =	sst s10  }
0x38: {  	s10 =	sld [smem:$0x3FAF]  }
0x39: {  	_ = 	snop;
	(pc) =	sbr.ind lr, $3  }
0x3a: {  	_ = 	snop  }
0x3b: {  	_ = 	snop  }
0x3c: {  	p2 =	seq.s32 s10, $0x1;
	s10 =	sld [smem:$0x3FAE]  }
0x3d: {  	_ =	shalt  }
0x3e: {  	_ =	shalt  }
0x3f: {  	_ =	shalt  }
0x40: {  	_ =	shalt  }
0x41: {  	_ =	shalt  }
0x42: {  	_ =	shalt  }
0x43: {  	_ =	shalt  }
0x44: {  	_ =	shalt  }
0x45: {  	_ =	shalt  }
0x46: {  	_ =	shalt  }
0x47: {  	_ =	shalt  }
0x48: {  	_ =	shalt  }
0x49: {  	_ =	shalt  }
0x4a: {  	_ =	shalt  }
0x4b: {  	_ =	shalt  }
0x4c: {  	_ =	shalt  }
0x4d: {  	_ =	shalt  }
0x4e: {  	_ =	shalt  }
0x4f: {  	_ =	shalt  }
0x50: {  	_ =	shalt  }
0x51: {  	_ =	shalt  }
0x52: {  	_ =	shalt  }
0x53: {  	_ =	shalt  }
0x54: {  	_ =	shalt  }
0x55: {  	_ =	shalt  }
0x56: {  	_ =	shalt  }
0x57: {  	_ =	shalt  }
0x58: {  	_ =	shalt  }
0x59: {  	_ =	shalt  }
0x5a: {  	_ =	shalt  }
0x5b: {  	_ =	shalt  }
0x5c: {  	_ =	shalt  }
0x5d: {  	_ =	shalt  }
0x5e: {  	_ =	shalt  }
0x5f: {  	_ =	shalt  }
0x60: {  	_ =	shalt  }
0x61: {  	_ =	shalt  }
0x62: {  	_ =	shalt  }
0x63: {  	_ =	shalt  }
0x64: {  	_ =	shalt  }
0x65: {  	_ =	shalt  }
0x66: {  	_ =	shalt  }
0x67: {  	_ =	shalt  }
0x68: {  	_ =	shalt  }
0x69: {  	_ =	shalt  }
0x6a: {  	_ =	shalt  }
0x6b: {  	_ =	shalt  }
0x6c: {  	_ =	shalt  }
0x6d: {  	_ =	shalt  }
0x6e: {  	_ =	shalt  }
0x6f: {  	_ =	shalt  }
0x70: {  	_ =	shalt  }
0x71: {  	_ =	shalt  }
0x72: {  	_ =	shalt  }
0x73: {  	_ =	shalt  }
0x74: {  	_ =	shalt  }
0x75: {  	_ =	shalt  }
0x76: {  	_ =	shalt  }
0x77: {  	_ =	shalt  }
0x78: {  	_ =	shalt  }
0x79: {  	_ =	shalt  }
0x7a: {  	_ =	shalt  }
0x7b: {  	_ =	shalt  }
0x7c: {  	_ =	shalt  }
0x7d: {  	_ =	shalt  }
0x7e: {  	_ =	shalt  }
0x7f: {  	_ =	shalt  }
0x80: {  	_ =	shalt  }
0x81: {  	_ =	shalt  }
0x82: {  	_ =	shalt  }
0x83: {  	_ =	shalt  }
0x84: {  	_ =	shalt  }
0x85: {  	_ =	shalt  }
0x86: {  	_ =	shalt  }
0x87: {  	_ =	shalt  }
.Lfunc_end0:
.L_simem_size_0:
called_computation.2_lowered:
.L_overlay_start_0:
0x88: {  	s2 =	sld [smem:$0x3FD9]  }
0x89: {  	s3 =	sld [smem:$0x3FFE];
	_ =	sdelay $0x1  }
0x8a: {  	s1 =	srdreg.scid  }
0x8b: {  	s0 =	sand.u32 $0x1, s1  }
0x8c: {  	s17 =	sshll.u32 s0, $0xA;
	s2 =	sadd.s32 s3, s2  }
0x8d: {  	s2 =	sadd.s32 s2, s17  }
0x8e: {  	[smem:$0x3FBA] =	sst s2  }
0x8f: {  	_ = 	snop  }
0x90: {  	s2 =	sld [smem:$0x3FD0];
	(tm) =	ssettm $0x1  }
0x91: {  	s18 =	sld [smem:$0x3FFB];
	_ =	sdelay $0x3  }
0x92: {  	_ =	strace s18  }
0x93: {  	s3 =	sld [smem:$0x3FFC];
	_ =	sdelay $0x3  }
0x94: {  	_ =	strace s3  }
0x95: {  	s3 =	sld [smem:$0x3FFD];
	_ =	sdelay $0x3  }
0x96: {  	_ =	strace s3  }
0x97: {  	_ =	strace $0x8FFFFFFF  }
0x98: {  	s19 =	sld [smem:$0x3FDB];
	_ =	sdelay $0x1  }
0x99: {  	s4 =	simm.s32 $_scs_section_size  }
0x9a: {  	s5 =	simm.s32 $_size__tile_overlayer_lowered;
	s6 =	simm.s32 $_tile_overlayer_lowered  }
0x9b: {  	s22 =	simm.s32 $0x1BFF;
	s21 =	sshll.u32 s6, $0x1;
	s3 =	sadd.s32 s4, s19  }
0x9c: {  	s7 =	simm.s32 $0x0;
	s20 =	sshll.u32 s5, $0x1;
	s5 =	sadd.s32 s21, s3  }
0x9d: {  	[timem:s7], [sflag:s22] =	dma.local [hbm:s5], s20  }
0x9e: {  	_ =	swait.ge [sflag:s22], s20  }
0x9f: {  	s4 =	ssub.s32 $0x0, s20;
	[sflag:s22] =	ssyncset.done $0x0  }
0xa0: {  	[sflag:s22] =	ssyncadd.s32 s4;
	_ =	sdelay $0x1  }
0xa1: {  	s23 =	simm.s32 $0x1B8B  }
0xa2: {  	_ =	swait.ge [sflag:s23], $0x1  }
0xa3: {  	[sflag:s23] =	ssyncset.done $0x0  }
0xa4: {  	s25 =	simm.s32 $0x1B8E;
	s24 =	sld [smem:$0x3FFE];
	[sflag:s23] =	ssyncadd.s32 $0xFFFFFFFF  }
0xa5: {  	s26 =	simm.s32 $execute0_lowered;
	[smem:$0x3FD2] =	sst s25  }
0xa6: {  	s5 =	sshll.u32 s26, $0x1;
	_ =	strace $0x8000004C;
	[dreg:$0x1] =	wrdreg $0xFFFFFFFF  }
0xa7: {  	s28 =	simm.s32 $_size_execute0_lowered;
	s3 =	sadd.s32 s3, s5;
	[dreg:$0x0] =	wrdreg $0x0  }
0xa8: {  	s5 =	sshll.u32 s28, $0x1;
	[dreg:$0x2] =	wrdreg s3  }
0xa9: {  	[dreg:$0x3] =	wrdreg s5  }
0xaa: {  	[dreg:$0x4] =	wrdreg $0xC0  }
0xab: {  	_ =	task [dreg:s7], $0x5FFFF  }
0xac: {  	[dreg:$0x1] =	wrdreg $0xFFFFFFFF  }
0xad: {  	[dreg:$0x0] =	wrdreg $0x60  }
0xae: {  	[dreg:$0x2] =	wrdreg s24  }
0xaf: {  	[dreg:$0x3] =	wrdreg s2  }
0xb0: {  	[dreg:$0x4] =	wrdreg $0xA8000  }
0xb1: {  	[dreg:$0x5] =	wrdreg $0x9  }
0xb2: {  	_ =	task.clear_ibuf [dreg:s7], $0x6FFFF;
	_ =	strace $0x9000004C  }
0xb3: {  	s29 =	simm.s32 $0x9;
	_ =	strace $0x8000004E  }
0xb4: {  	_ =	swait.ge [sflag:s29], $0x1  }
0xb5: {  	[sflag:s29] =	ssyncadd.s32 $0xFFFFFFFF  }
0xb6: {  	_ =	strace $0x9000004E  }
0xb7: {  	_ =	sfence  }
0xb8: {  	s30 =	sld [smem:$0x0];
	_ =	sdelay $0x2  }
0xb9: {  	s31 =	sshll.u32 s1, $0xD;
	s1 =	sshrl.u32 s1, $0x2  }
0xba: {  	s3 =	sand.u32 $0x4000, s31;
	s1 =	sadd.s32 s1, s30  }
0xbb: {  	s0 =	sor.u32 s3, s0;
	s1 =	sshll.u32 s1, $0x11  }
0xbc: {  	s0 =	sor.u32 s1, s0  }
0xbd: {  	s0 =	sadd.s32 $0x8F2B, s0  }
0xbe: {  	[sflag:s0] =	ssyncadd.remote.s32 $0x1  }
0xbf: {  	_ =	sfence.sel $0xFFFF  }
0xc0: {  	[dreg:$0x0] =	wrdreg $0xFFFFFFFF;
	(pc) =	sbr.abs _section_cstart, $3  }
0xc1: {  	[dreg:$0x1] =	wrdreg $0xFFFFFFFF  }
0xc2: {  	_ =	task.clear_ibuf [dreg:s7], $0x2FFFF;
	_ =	strace $0x9FFFFFFF  }
0xc3: {  	(tm) =	ssettm $0x7FFFFFFF  }
tec
execute0_lowered:
.L_overlay_start_1:
0x0: {  	(tag) =	ssettag $0x1  }
0x1: {  	s5 =	rddreg [dreg:$0x0]  }
0x2: {  	s8 =	rddreg [dreg:$0x1]  }
0x3: {  	s1 =	rddreg [dreg:$0x2];
	s2 =	srdreg.scid  }
0x4: {  	s0 =	rddreg [dreg:$0x3];
	s3 =	simm.s32 $0x0;
	s17 =	simm.s32 $0x2800  }
0x5: {  	s18 =	simm.s32 $0x6800;
	s19 =	simm.s32 $0x1;
	s20 =	simm.s32 $0x2700  }
0x6: {  	s21 =	simm.s32 $0x2780;
	s6 =	sand.u32 $0x1, s2;
	s2 =	stileid.u32  }
0x7: {  	s22 =	simm.s32 $0x0;
	[smem:$0x7FF] =	sst s3;
	s7 =	smul.u32 $0x140000, s6  }
0x8: {  	s4 =	sadd.s32 $0xE600, s5;
	s10 =	sadd.s32 $0x4600, s5;
	s9 =	smul.u32 $0x14000, s2  }
0x9: {  	s12 =	sadd.s32 $0x5E600, s5;
	_ =	strace $0x8000004D;
	s11 =	smul.u32 $0x50000, s2  }
0xa: {  	s25 =	sshll.u32 s6, $0x4;
	s13 =	ssub.s32 $0x2, s6;
	s14 =	smul.u32 $0x2800, s2  }
0xb: {  	p0 =	seq.s32 s6, $0x1;
	s31 =	sshll.u32 s2, $0x6;
	s26 =	sshrl.u32 s13, $0x1  }
0xc: {  	s7 =	sadd.s32 s9, s7;
	s9 =	sor.u32 s2, s25;
	s13 =	ssub.s32 s13, s26  }
0xd: {  	s29 =	sshrl.u32 s11, $0x2;
	s7 =	sshrl.u32 s7, $0x3;
	s28 =	smul.u32 $0x2800, s9  }
0xe: {  	s9 =	smul.u32 $0x500, s9;
	s16 =	sadd.s32 s29, s1;
	s11 =	smax.u32 s13, $0x1  }
0xf: {  	s15 =	sadd.s32 s7, s5;
	s5 =	sadd.s32 s4, s14;
	s13 =	sshrl.u32 s16, $0x3  }
0x10: {  	s14 =	simm.s32 $0x2;
	s16 =	simm.s32 $0x80;
	s7 =	sshrl.u32 s28, $0x3  }
0x11: {  	s6 =	sadd.s32 s8, s9;
	s5 =	smov.u32 @p0 s12;
	s30 =	sadd.s32 $0x280, s7  }
0x12: {  	s12 =	sor.u32 $0x1C02, s31;
	s7 =	sadd.s32 s10, s9;
	s8 =	sadd.s32 s8, s30  }
0x13: {  	s9 =	sadd.s32 s10, s30;
	s10 =	sadd.s32 $0x88E00, s15;
	s15 =	simm.s32 $0x1400  }
.LBB2_1:
0x14: {  	[spmem:s13], [sflag:s12] =	dma.local [hbm:s5], $0x2800  }
0x15: {  	_ =	swait.ge [sflag:s14], $0x2800  }
0x16: {  	[sflag:s14] =	ssyncset.done $0x0  }
0x17: {  	[sflag:s14] =	ssyncadd.s32 $0xFFFFD800  }
0x18: {  	[bflag:$0x0] =	sbarrier.arrive $0xFFFF  }
0x19: {  	[tilespmem:s3], [sflag:$0x2] =	stream.linear.gather [hbm4b:s6+s3], $0x1400, $0x38;
	[tilespmem:$0x1E800] =	vst v63  }
0x1a: {  	_ =	swait.ge [sflag:s14], $0x1400  }
0x1b: {  	[sflag:s14] =	ssyncset.done $0x0  }
0x1c: {  	[sflag:s14] =	ssyncadd.s32 $0xFFFFEC00  }
0x1d: {  	[tilespmem:s15], [sflag:$0x2] =	stream.linear.gather [hbm4b:s7+s3], $0x1400, $0x38;
	[tilespmem:$0x1E800] =	vst v63  }
0x1e: {  	_ =	swait.ge [sflag:s14], $0x1400  }
0x1f: {  	[sflag:s14] =	ssyncset.done $0x0  }
0x20: {  	[sflag:s14] =	ssyncadd.s32 $0xFFFFEC00  }
0x21: {  	[tilespmem:s17], [sflag:$0x1] =	stream.indirect.gather [hbm4b:s4+s16], $0x80, s3, s16, $0xb8;
	[tilespmem:$0x1E800] =	vst v63  }
0x22: {  	_ = 	snop  }
0x23: {  	[tilespmem:s18], [sflag:$0x1] =	stream.indirect.gather [hbm4b:s4+s16], $0x80, s16, s16, $0xb8;
	[tilespmem:$0x1E800] =	vst v63  }
0x24: {  	_ =	swait.ge [sflag:s19], $0x4000  }
0x25: {  	[sflag:s19] =	ssyncset.done $0x0  }
0x26: {  	s23 =	simm.s32 $0x1400;
	[sflag:s19] =	ssyncadd.s32 $0xFFFFC000  }
0x27: {  	[spmem:s1] =	stream.indirect.scatter.add.f32 [tilespmem:s17], [sflag:$0x2], $0x80, s23, s16, $0xb8;
	[tilespmem:$0x1E800] =	vst v63  }
0x28: {  	_ =	swait.ge [sflag:s14], $0x4000  }
0x29: {  	[sflag:s14] =	ssyncset.done $0x0  }
0x2a: {  	s30 =	simm.s32 $0x100;
	[sflag:s14] =	ssyncadd.s32 $0xFFFFC000  }
0x2b: {  	[tilespmem:s17], [sflag:$0x1] =	stream.indirect.gather [hbm4b:s4+s16], $0x80, s30, s16, $0xb8;
	[tilespmem:$0x1E800] =	vst v63  }
0x2c: {  	_ =	swait.ge [sflag:s19], $0x4000  }
0x2d: {  	[sflag:s19] =	ssyncset.done $0x0  }
0x2e: {  	s31 =	simm.s32 $0x1480;
	[sflag:s19] =	ssyncadd.s32 $0xFFFFC000  }
0x2f: {  	[spmem:s1] =	stream.indirect.scatter.add.f32 [tilespmem:s18], [sflag:$0x2], $0x80, s31, s16, $0xb8;
	[tilespmem:$0x1E800] =	vst v63  }
0x30: {  	_ =	swait.ge [sflag:s14], $0x4000  }
0x31: {  	[sflag:s14] =	ssyncset.done $0x0  }
0x32: {  	s24 =	simm.s32 $0x180;
	s23 =	simm.s32 $0x400;
	[sflag:s14] =	ssyncadd.s32 $0xFFFFC000  }
.LBB2_2:
0x33: {  	[tilespmem:s18], [sflag:$0x1] =	stream.indirect.gather [hbm4b:s4+s16], $0x80, s24, s16, $0xb8;
	[tilespmem:$0x1E800] =	vst v63  }
0x34: {  	s24 =	smov.u32 s23  }
0x35: {  	p0 =	sne.s32 s23, $0x4800;
	s23 =	sadd.s32 $0x400, s23;
	_ =	swait.ge [sflag:s19], $0x4000  }
0x36: {  	s24 =	sshra.s32 s24, $0x2;
	[sflag:s19] =	ssyncset.done $0x0  }
0x37: {  	s25 =	sadd.s32 $0x1400, s24;
	[sflag:s19] =	ssyncadd.s32 $0xFFFFC000  }
0x38: {  	[spmem:s1] =	stream.indirect.scatter.add.f32 [tilespmem:s17], [sflag:$0x2], $0x80, s25, s16, $0xb8;
	[tilespmem:$0x1E800] =	vst v63  }
0x39: {  	_ =	swait.ge [sflag:s14], $0x4000  }
0x3a: {  	[sflag:s14] =	ssyncset.done $0x0  }
0x3b: {  	s25 =	sadd.s32 $0x100, s24;
	[sflag:s14] =	ssyncadd.s32 $0xFFFFC000  }
0x3c: {  	[tilespmem:s17], [sflag:$0x1] =	stream.indirect.gather [hbm4b:s4+s16], $0x80, s25, s16, $0xb8;
	[tilespmem:$0x1E800] =	vst v63  }
0x3d: {  	_ =	swait.ge [sflag:s19], $0x4000  }
0x3e: {  	[sflag:s19] =	ssyncset.done $0x0  }
.Ltmp0:
0x3f: {  	s25 =	sadd.s32 $0x1480, s24;
	[sflag:s19] =	ssyncadd.s32 $0xFFFFC000;
	(pc) =	sbr.rel @p0 .LBB2_2-.Ltmp0, $4  }
0x40: {  	[spmem:s1] =	stream.indirect.scatter.add.f32 [tilespmem:s18], [sflag:$0x2], $0x80, s25, s16, $0xb8;
	[tilespmem:$0x1E800] =	vst v63  }
0x41: {  	_ =	swait.ge [sflag:s14], $0x4000  }
0x42: {  	[sflag:s14] =	ssyncset.done $0x0  }
0x43: {  	s24 =	sadd.s32 $0x180, s24;
	[sflag:s14] =	ssyncadd.s32 $0xFFFFC000  }
0x44: {  	[tilespmem:s18], [sflag:$0x1] =	stream.indirect.gather [hbm4b:s4+s16], $0x80, s24, s16, $0xb8;
	[tilespmem:$0x1E800] =	vst v63  }
0x45: {  	_ =	swait.ge [sflag:s19], $0x4000  }
0x46: {  	[sflag:s19] =	ssyncset.done $0x0  }
0x47: {  	[sflag:s19] =	ssyncadd.s32 $0xFFFFC000  }
0x48: {  	[spmem:s1] =	stream.indirect.scatter.add.f32 [tilespmem:s17], [sflag:$0x2], $0x80, s20, s16, $0xb8;
	[tilespmem:$0x1E800] =	vst v63  }
0x49: {  	_ =	swait.ge [sflag:s14], $0x4000  }
0x4a: {  	[sflag:s14] =	ssyncset.done $0x0  }
0x4b: {  	[sflag:s14] =	ssyncadd.s32 $0xFFFFC000  }
0x4c: {  	_ =	swait.ge [sflag:s19], $0x4000  }
0x4d: {  	[sflag:s19] =	ssyncset.done $0x0  }
0x4e: {  	[sflag:s19] =	ssyncadd.s32 $0xFFFFC000  }
0x4f: {  	[spmem:s1] =	stream.indirect.scatter.add.f32 [tilespmem:s18], [sflag:$0x2], $0x80, s21, s16, $0xb8;
	[tilespmem:$0x1E800] =	vst v63  }
0x50: {  	_ =	swait.ge [sflag:s14], $0x4000  }
0x51: {  	[sflag:s14] =	ssyncset.done $0x0  }
0x52: {  	s23 =	simm.s32 $0x0;
	[sflag:s14] =	ssyncadd.s32 $0xFFFFC000  }
0x53: {  	[tilespmem:s23], [sflag:$0x2] =	stream.linear.gather [hbm4b:s8+s23], $0x1400, $0x38;
	[tilespmem:$0x1E800] =	vst v63  }
0x54: {  	_ =	swait.ge [sflag:s14], $0x1400  }
0x55: {  	[sflag:s14] =	ssyncset.done $0x0  }
0x56: {  	[sflag:s14] =	ssyncadd.s32 $0xFFFFEC00  }
0x57: {  	[tilespmem:s15], [sflag:$0x2] =	stream.linear.gather [hbm4b:s9+s23], $0x1400, $0x38;
	[tilespmem:$0x1E800] =	vst v63  }
0x58: {  	_ =	swait.ge [sflag:s14], $0x1400  }
0x59: {  	[sflag:s14] =	ssyncset.done $0x0  }
0x5a: {  	[sflag:s14] =	ssyncadd.s32 $0xFFFFEC00  }
0x5b: {  	[tilespmem:s17], [sflag:$0x1] =	stream.indirect.gather [hbm4b:s4+s16], $0x80, s23, s16, $0xb8;
	[tilespmem:$0x1E800] =	vst v63  }
0x5c: {  	_ = 	snop  }
0x5d: {  	[tilespmem:s18], [sflag:$0x1] =	stream.indirect.gather [hbm4b:s4+s16], $0x80, s16, s16, $0xb8;
	[tilespmem:$0x1E800] =	vst v63  }
0x5e: {  	_ =	swait.ge [sflag:s19], $0x4000  }
0x5f: {  	[sflag:s19] =	ssyncset.done $0x0  }
0x60: {  	s29 =	simm.s32 $0x1400;
	[sflag:s19] =	ssyncadd.s32 $0xFFFFC000  }
0x61: {  	[spmem:s1] =	stream.indirect.scatter.add.f32 [tilespmem:s17], [sflag:$0x2], $0x80, s29, s16, $0xb8;
	[tilespmem:$0x1E800] =	vst v63  }
0x62: {  	_ =	swait.ge [sflag:s14], $0x4000  }
0x63: {  	[sflag:s14] =	ssyncset.done $0x0  }
0x64: {  	s30 =	simm.s32 $0x100;
	[sflag:s14] =	ssyncadd.s32 $0xFFFFC000  }
0x65: {  	[tilespmem:s17], [sflag:$0x1] =	stream.indirect.gather [hbm4b:s4+s16], $0x80, s30, s16, $0xb8;
	[tilespmem:$0x1E800] =	vst v63  }
0x66: {  	_ =	swait.ge [sflag:s19], $0x4000  }
0x67: {  	[sflag:s19] =	ssyncset.done $0x0  }
0x68: {  	s31 =	simm.s32 $0x1480;
	[sflag:s19] =	ssyncadd.s32 $0xFFFFC000  }
0x69: {  	[spmem:s1] =	stream.indirect.scatter.add.f32 [tilespmem:s18], [sflag:$0x2], $0x80, s31, s16, $0xb8;
	[tilespmem:$0x1E800] =	vst v63  }
0x6a: {  	_ =	swait.ge [sflag:s14], $0x4000  }
0x6b: {  	[sflag:s14] =	ssyncset.done $0x0  }
0x6c: {  	s24 =	simm.s32 $0x180;
	s23 =	simm.s32 $0x400;
	[sflag:s14] =	ssyncadd.s32 $0xFFFFC000  }
.LBB2_4:
0x6d: {  	[tilespmem:s18], [sflag:$0x1] =	stream.indirect.gather [hbm4b:s4+s16], $0x80, s24, s16, $0xb8;
	[tilespmem:$0x1E800] =	vst v63  }
0x6e: {  	s24 =	smov.u32 s23  }
0x6f: {  	p0 =	sne.s32 s23, $0x4800;
	s23 =	sadd.s32 $0x400, s23;
	_ =	swait.ge [sflag:s19], $0x4000  }
0x70: {  	s24 =	sshra.s32 s24, $0x2;
	[sflag:s19] =	ssyncset.done $0x0  }
0x71: {  	s25 =	sadd.s32 $0x1400, s24;
	[sflag:s19] =	ssyncadd.s32 $0xFFFFC000  }
0x72: {  	[spmem:s1] =	stream.indirect.scatter.add.f32 [tilespmem:s17], [sflag:$0x2], $0x80, s25, s16, $0xb8;
	[tilespmem:$0x1E800] =	vst v63  }
0x73: {  	_ =	swait.ge [sflag:s14], $0x4000  }
0x74: {  	[sflag:s14] =	ssyncset.done $0x0  }
0x75: {  	s25 =	sadd.s32 $0x100, s24;
	[sflag:s14] =	ssyncadd.s32 $0xFFFFC000  }
0x76: {  	[tilespmem:s17], [sflag:$0x1] =	stream.indirect.gather [hbm4b:s4+s16], $0x80, s25, s16, $0xb8;
	[tilespmem:$0x1E800] =	vst v63  }
0x77: {  	_ =	swait.ge [sflag:s19], $0x4000  }
0x78: {  	[sflag:s19] =	ssyncset.done $0x0  }
.Ltmp1:
0x79: {  	s25 =	sadd.s32 $0x1480, s24;
	[sflag:s19] =	ssyncadd.s32 $0xFFFFC000;
	(pc) =	sbr.rel @p0 .LBB2_4-.Ltmp1, $4  }
0x7a: {  	[spmem:s1] =	stream.indirect.scatter.add.f32 [tilespmem:s18], [sflag:$0x2], $0x80, s25, s16, $0xb8;
	[tilespmem:$0x1E800] =	vst v63  }
0x7b: {  	_ =	swait.ge [sflag:s14], $0x4000  }
0x7c: {  	[sflag:s14] =	ssyncset.done $0x0  }
0x7d: {  	s24 =	sadd.s32 $0x180, s24;
	[sflag:s14] =	ssyncadd.s32 $0xFFFFC000  }
0x7e: {  	[tilespmem:s18], [sflag:$0x1] =	stream.indirect.gather [hbm4b:s4+s16], $0x80, s24, s16, $0xb8;
	[tilespmem:$0x1E800] =	vst v63  }
0x7f: {  	_ =	swait.ge [sflag:s19], $0x4000  }
0x80: {  	[sflag:s19] =	ssyncset.done $0x0  }
0x81: {  	[sflag:s19] =	ssyncadd.s32 $0xFFFFC000  }
0x82: {  	[spmem:s1] =	stream.indirect.scatter.add.f32 [tilespmem:s17], [sflag:$0x2], $0x80, s20, s16, $0xb8;
	[tilespmem:$0x1E800] =	vst v63  }
0x83: {  	_ =	swait.ge [sflag:s14], $0x4000  }
0x84: {  	[sflag:s14] =	ssyncset.done $0x0  }
0x85: {  	[sflag:s14] =	ssyncadd.s32 $0xFFFFC000  }
0x86: {  	_ =	swait.ge [sflag:s19], $0x4000  }
0x87: {  	[sflag:s19] =	ssyncset.done $0x0  }
0x88: {  	[sflag:s19] =	ssyncadd.s32 $0xFFFFC000  }
0x89: {  	[spmem:s1] =	stream.indirect.scatter.add.f32 [tilespmem:s18], [sflag:$0x2], $0x80, s21, s16, $0xb8;
	[tilespmem:$0x1E800] =	vst v63  }
0x8a: {  	_ =	swait.ge [sflag:s14], $0x4000  }
0x8b: {  	s22 =	sadd.s32 $0x1, s22;
	[sflag:s14] =	ssyncset.done $0x0  }
0x8c: {  	p0 =	sne.s32 s22, s11;
	[sflag:s14] =	ssyncadd.s32 $0xFFFFC000  }
.Ltmp2:
0x8d: {  	[bflag:$0x0] =	sbarrier.arrive $0xFFFF;
	(pc) =	sbr.rel @p0 .LBB2_1-.Ltmp2, $4  }
0x8e: {  	[hbm:s10], [sflag:s12] =	dma.local [spmem:s13], $0x2800  }
0x8f: {  	_ =	swait.ge [sflag:s14], $0x2800  }
0x90: {  	[sflag:s14] =	ssyncset.done $0x0  }
0x91: {  	[sflag:s14] =	ssyncadd.s32 $0xFFFFD800  }
0x92: {  	_ =	sfence.sel $0x180000  }
0x93: {  	[bflag:$0x0] =	sbarrier.arrive $0xFFFF  }
0x94: {  	p0 =	sne.s32 s2, $0x0;
	_ =	strace $0x9000004D  }
0x95: {  	s0 =	sadd.s32 @!p0 $0x100000, s0;
	[bflag:$0x2] =	sbarrier.arrive $0xFFFF  }
0x96: {  	[sflag:s0] =	ssyncadd.tile.s32 @!p0 $0x1;
	_ =	shalt  }
.Lfunc_end2:
_tile_overlayer_lowered:
.L_overlay_start_2:
0x97: {  	(tag) =	ssettag $0x2  }
0x98: {  	s0 =	rddreg [dreg:$0x0];
	s2 =	stileid.u32  }
0x99: {  	s1 =	rddreg [dreg:$0x1];
	p0 =	sne.s32 s2, $0x0  }
0x9a: {  	s3 =	rddreg [dreg:$0x2];
	[bflag:$0x3] =	sbarrier.arrive $0xFFFF;
	s2 =	simm.s32 @!p0 $0x1C02  }
0x9b: {  	[timem:s3], [sflag:s2] =	dma.local @!p0 [hbm:s0], s1  }
0x9c: {  	s0 =	simm.s32 @!p0 $0x2  }
0x9d: {  	_ =	swait.ge @!p0 [sflag:s0], s1  }
0x9e: {  	s1 =	ssub.s32 @!p0 $0x0, s1;
	[sflag:s0] =	ssyncset.done @!p0 $0x0  }
0x9f: {  	[sflag:s0] =	ssyncadd.s32 @!p0 s1  }
0xa0: {  	[bflag:$0x3] =	sbarrier.arrive $0xFFFF  }
0xa1: {  	_ =	shalt  }

// kernel: kernel.8.cloned.1.call-start
scs
__scs_entry_jumppad:
0x0: {  	(pc) =	sbr.rel $0x88, $3  }
0x1: {  	(tag) =	ssettag $0x0;
	lr =	simm.s32 $0x1  }
0x2: {  	[smem:$0x3F93] =	sst lr;
	_ =	strace $0xD0000000  }
0x3: {  	_ = 	snop  }
0x4: {  	_ = 	snop  }
0x5: {  	_ = 	snop  }
0x6: {  	_ = 	snop  }
0x7: {  	_ = 	snop  }
__scs_overlays_trampoline_lowered:
0x8: {  	[smem:$0x3FA2] =	sst s0  }
0x9: {  	[smem:$0x3FA3] =	sst s1  }
0xa: {  	[smem:$0x3FA4] =	sst s2  }
0xb: {  	[smem:$0x3FA5] =	sst s3  }
0xc: {  	[smem:$0x3FA6] =	sst s4  }
0xd: {  	[smem:$0x3FA7] =	sst s5  }
0xe: {  	[smem:$0x3FA8] =	sst s6  }
0xf: {  	[smem:$0x3FA9] =	sst s7  }
0x10: {  	[smem:$0x3FAA] =	sst s8  }
0x11: {  	[smem:$0x3FAB] =	sst s9;
	s0 =	simm.s32 @!p0 $0x0  }
0x12: {  	s1 =	sld [smem:$0x3F91];
	s0 =	simm.s32 @p0 $0x1  }
0x13: {  	[smem:$0x3FAC] =	sst s0;
	s0 =	simm.s32 @!p1 $0x0  }
0x14: {  	s2 =	sld [smem:$0x3F90];
	s0 =	simm.s32 @p1 $0x1  }
0x15: {  	[smem:$0x3FAD] =	sst s0;
	s0 =	simm.s32 @!p2 $0x0  }
0x16: {  	s3 =	sld [smem:$0x3FDB];
	s0 =	simm.s32 @p2 $0x1  }
0x17: {  	s4 =	simm.s32 $0x1BF5;
	[smem:$0x3FAF] =	sst s0  }
0x18: {  	s0 =	sld [smem:$0x3F92];
	_ =	swait.ge [sflag:s4], $0x0  }
0x19: {  	s7 =	sld [smem:$0x3F93]  }
0x1a: {  	s8 =	sadd.s32 $0xFFFFE003, lr  }
0x1b: {  	s9 =	sadd.s32 $0xFFFFFEF7, lr;
	s5 =	simm.s32 $0xFFFFFFFF;
	p2 =	slt.u32 s8, $0xFFFFF086  }
0x1c: {  	p1 =	slt.u32 s9, $0xF7A;
	s5 =	simm.s32 @!p2 $0x0  }
0x1d: {  	s5 =	simm.s32 @p1 $0x1;
	p0 =	seq.s32 s7, s2  }
0x1e: {  	s7 =	smul.u32 @!p0 $0xF7A, s2;
	p2 =	seq.s32 @!p0 s5, $0x0  }
0x1f: {  	s9 =	smul.u32 $0xF7A, s1;
	s8 =	simm.s32 @!p0 $0x1BF5;
	p2 =	por !p2, p0  }
0x20: {  	[sflag:s8] =	ssyncset.s32 @!p0 $0xFFFFF086;
	s6 =	sadd.s32 @!p0 s3, s7;
	s7 =	simm.s32 @!p0 $0x108  }
0x21: {  	s3 =	sadd.s32 s3, s9;
	s6 =	sadd.s32 @!p0 $0x88, s6;
	s7 =	simm.s32 @p2 $0x1082  }
0x22: {  	[simem:s7], [sflag:s8] =	dma.local @!p0 [hbm:s6], $0xF7A  }
0x23: {  	s9 =	sor.u32 $0xD0000000, s2;
	s6 =	simm.s32 $0x108;
	_ =	swait.ge @!p0 [sflag:s8], $0x0  }
0x24: {  	s3 =	sadd.s32 $0x88, s3;
	s6 =	simm.s32 @!p1 $0x1082;
	[sflag:s4] =	ssyncset.s32 $0xFFFFF086  }
0x25: {  	[simem:s6], [sflag:s4] =	dma.local [hbm:s3], $0xF7A  }
0x26: {  	[smem:$0x3F93] =	sst s1;
	(tag) =	ssettag s2;
	_ =	strace s9  }
0x27: {  	s1 =	sld [smem:$0x3FA3]  }
0x28: {  	s2 =	sld [smem:$0x3FA4]  }
0x29: {  	s4 =	sld [smem:$0x3FA6]  }
0x2a: {  	p0 =	seq.s32 s5, $0x0;
	s5 =	sld [smem:$0x3FA7]  }
0x2b: {  	s6 =	sld [smem:$0x3FA8]  }
0x2c: {  	s7 =	sld [smem:$0x3FA9]  }
0x2d: {  	s3 =	simm.s32 $0x108;
	s8 =	sld [smem:$0x3FAA]  }
0x2e: {  	s3 =	simm.s32 @!p0 $0x1082;
	s9 =	sld [smem:$0x3FAB]  }
0x2f: {  	lr =	sadd.s32 s0, s3;
	s0 =	sld [smem:$0x3FA2]  }
0x30: {  	s3 =	sld [smem:$0x3FA5]  }
0x31: {  	[smem:$0x3FAE] =	sst s10  }
0x32: {  	s10 =	sld [smem:$0x3FAC];
	_ =	sdelay $0x3  }
0x33: {  	p0 =	seq.s32 s10, $0x1;
	s10 =	sld [smem:$0x3FAE];
	_ =	sdelay $0x3  }
0x34: {  	[smem:$0x3FAE] =	sst s10  }
0x35: {  	s10 =	sld [smem:$0x3FAD];
	_ =	sdelay $0x3  }
0x36: {  	p1 =	seq.s32 s10, $0x1;
	s10 =	sld [smem:$0x3FAE];
	_ =	sdelay $0x3  }
0x37: {  	[smem:$0x3FAE] =	sst s10  }
0x38: {  	s10 =	sld [smem:$0x3FAF]  }
0x39: {  	_ = 	snop;
	(pc) =	sbr.ind lr, $3  }
0x3a: {  	_ = 	snop  }
0x3b: {  	_ = 	snop  }
0x3c: {  	p2 =	seq.s32 s10, $0x1;
	s10 =	sld [smem:$0x3FAE]  }
0x3d: {  	_ =	shalt  }
0x3e: {  	_ =	shalt  }
0x3f: {  	_ =	shalt  }
0x40: {  	_ =	shalt  }
0x41: {  	_ =	shalt  }
0x42: {  	_ =	shalt  }
0x43: {  	_ =	shalt  }
0x44: {  	_ =	shalt  }
0x45: {  	_ =	shalt  }
0x46: {  	_ =	shalt  }
0x47: {  	_ =	shalt  }
0x48: {  	_ =	shalt  }
0x49: {  	_ =	shalt  }
0x4a: {  	_ =	shalt  }
0x4b: {  	_ =	shalt  }
0x4c: {  	_ =	shalt  }
0x4d: {  	_ =	shalt  }
0x4e: {  	_ =	shalt  }
0x4f: {  	_ =	shalt  }
0x50: {  	_ =	shalt  }
0x51: {  	_ =	shalt  }
0x52: {  	_ =	shalt  }
0x53: {  	_ =	shalt  }
0x54: {  	_ =	shalt  }
0x55: {  	_ =	shalt  }
0x56: {  	_ =	shalt  }
0x57: {  	_ =	shalt  }
0x58: {  	_ =	shalt  }
0x59: {  	_ =	shalt  }
0x5a: {  	_ =	shalt  }
0x5b: {  	_ =	shalt  }
0x5c: {  	_ =	shalt  }
0x5d: {  	_ =	shalt  }
0x5e: {  	_ =	shalt  }
0x5f: {  	_ =	shalt  }
0x60: {  	_ =	shalt  }
0x61: {  	_ =	shalt  }
0x62: {  	_ =	shalt  }
0x63: {  	_ =	shalt  }
0x64: {  	_ =	shalt  }
0x65: {  	_ =	shalt  }
0x66: {  	_ =	shalt  }
0x67: {  	_ =	shalt  }
0x68: {  	_ =	shalt  }
0x69: {  	_ =	shalt  }
0x6a: {  	_ =	shalt  }
0x6b: {  	_ =	shalt  }
0x6c: {  	_ =	shalt  }
0x6d: {  	_ =	shalt  }
0x6e: {  	_ =	shalt  }
0x6f: {  	_ =	shalt  }
0x70: {  	_ =	shalt  }
0x71: {  	_ =	shalt  }
0x72: {  	_ =	shalt  }
0x73: {  	_ =	shalt  }
0x74: {  	_ =	shalt  }
0x75: {  	_ =	shalt  }
0x76: {  	_ =	shalt  }
0x77: {  	_ =	shalt  }
0x78: {  	_ =	shalt  }
0x79: {  	_ =	shalt  }
0x7a: {  	_ =	shalt  }
0x7b: {  	_ =	shalt  }
0x7c: {  	_ =	shalt  }
0x7d: {  	_ =	shalt  }
0x7e: {  	_ =	shalt  }
0x7f: {  	_ =	shalt  }
0x80: {  	_ =	shalt  }
0x81: {  	_ =	shalt  }
0x82: {  	_ =	shalt  }
0x83: {  	_ =	shalt  }
0x84: {  	_ =	shalt  }
0x85: {  	_ =	shalt  }
0x86: {  	_ =	shalt  }
0x87: {  	_ =	shalt  }
.Lfunc_end0:
.L_simem_size_0:
called_computation_lowered:
.L_overlay_start_0:
0x88: {  	s2 =	sld [smem:$0x3FD9]  }
0x89: {  	s3 =	sld [smem:$0x3FFE];
	_ =	sdelay $0x1  }
0x8a: {  	s1 =	srdreg.scid  }
0x8b: {  	s0 =	sand.u32 $0x1, s1  }
0x8c: {  	s16 =	sshll.u32 s0, $0xA;
	s2 =	sadd.s32 s3, s2  }
0x8d: {  	s2 =	sadd.s32 s2, s16  }
0x8e: {  	[smem:$0x3FBA] =	sst s2  }
0x8f: {  	_ = 	snop  }
0x90: {  	(tm) =	ssettm $0x1  }
0x91: {  	s17 =	sld [smem:$0x3FFB];
	_ =	sdelay $0x3  }
0x92: {  	_ =	strace s17  }
0x93: {  	s2 =	sld [smem:$0x3FFC];
	_ =	sdelay $0x3  }
0x94: {  	_ =	strace s2  }
0x95: {  	s2 =	sld [smem:$0x3FFD];
	_ =	sdelay $0x3  }
0x96: {  	_ =	strace s2  }
0x97: {  	_ =	strace $0x8FFFFFFF  }
0x98: {  	s18 =	sld [smem:$0x3FDB];
	_ =	sdelay $0x1  }
0x99: {  	s19 =	simm.s32 $_scs_section_size  }
0x9a: {  	s4 =	simm.s32 $_size__tile_overlayer_lowered;
	s5 =	simm.s32 $_tile_overlayer_lowered  }
0x9b: {  	s22 =	simm.s32 $0x1BFF;
	s21 =	sshll.u32 s5, $0x1;
	s2 =	sadd.s32 s19, s18  }
0x9c: {  	s6 =	simm.s32 $0x0;
	s20 =	sshll.u32 s4, $0x1;
	s4 =	sadd.s32 s21, s2  }
0x9d: {  	[timem:s6], [sflag:s22] =	dma.local [hbm:s4], s20  }
0x9e: {  	_ =	swait.ge [sflag:s22], s20  }
0x9f: {  	s3 =	ssub.s32 $0x0, s20;
	[sflag:s22] =	ssyncset.done $0x0  }
0xa0: {  	[sflag:s22] =	ssyncadd.s32 s3;
	_ =	sdelay $0x1  }
0xa1: {  	s23 =	simm.s32 $0x1B8B  }
0xa2: {  	_ =	swait.ge [sflag:s23], $0x1  }
0xa3: {  	[sflag:s23] =	ssyncset.done $0x0  }
0xa4: {  	s25 =	simm.s32 $0x1B8E;
	s24 =	sld [smem:$0x3FFE];
	[sflag:s23] =	ssyncadd.s32 $0xFFFFFFFF  }
0xa5: {  	s26 =	simm.s32 $execute0_lowered;
	[smem:$0x3FD2] =	sst s25  }
0xa6: {  	s4 =	sshll.u32 s26, $0x1;
	_ =	strace $0x80000046;
	[dreg:$0x1] =	wrdreg $0xFFFFFFFF  }
0xa7: {  	s28 =	simm.s32 $_size_execute0_lowered;
	s2 =	sadd.s32 s2, s4;
	[dreg:$0x0] =	wrdreg $0x0  }
0xa8: {  	s4 =	sshll.u32 s28, $0x1;
	[dreg:$0x2] =	wrdreg s2  }
0xa9: {  	[dreg:$0x3] =	wrdreg s4  }
0xaa: {  	[dreg:$0x4] =	wrdreg $0xC0  }
0xab: {  	_ =	task [dreg:s6], $0x5FFFF  }
0xac: {  	[dreg:$0x1] =	wrdreg $0xFFFFFFFF  }
0xad: {  	[dreg:$0x0] =	wrdreg $0x60  }
0xae: {  	[dreg:$0x2] =	wrdreg s24  }
0xaf: {  	[dreg:$0x3] =	wrdreg $0x28800  }
0xb0: {  	[dreg:$0x4] =	wrdreg $0x9  }
0xb1: {  	_ =	task.clear_ibuf [dreg:s6], $0x5FFFF;
	_ =	strace $0x90000046  }
0xb2: {  	s29 =	simm.s32 $0x9;
	_ =	strace $0x80000048  }
0xb3: {  	_ =	swait.ge [sflag:s29], $0x1  }
0xb4: {  	[sflag:s29] =	ssyncadd.s32 $0xFFFFFFFF  }
0xb5: {  	_ =	strace $0x90000048  }
0xb6: {  	_ =	sfence  }
0xb7: {  	s30 =	sld [smem:$0x0];
	_ =	sdelay $0x2  }
0xb8: {  	s31 =	sshll.u32 s1, $0xD;
	s1 =	sshrl.u32 s1, $0x2  }
0xb9: {  	s3 =	sand.u32 $0x4000, s31;
	s1 =	sadd.s32 s1, s30  }
0xba: {  	s0 =	sor.u32 s3, s0;
	s1 =	sshll.u32 s1, $0x11  }
0xbb: {  	s0 =	sor.u32 s1, s0  }
0xbc: {  	s0 =	sadd.s32 $0x8F2B, s0  }
0xbd: {  	[sflag:s0] =	ssyncadd.remote.s32 $0x1  }
0xbe: {  	_ =	sfence.sel $0xFFFF  }
0xbf: {  	[dreg:$0x0] =	wrdreg $0xFFFFFFFF;
	(pc) =	sbr.abs _section_cstart, $3  }
0xc0: {  	[dreg:$0x1] =	wrdreg $0xFFFFFFFF  }
0xc1: {  	_ =	task.clear_ibuf [dreg:s6], $0x2FFFF;
	_ =	strace $0x9FFFFFFF  }
0xc2: {  	(tm) =	ssettm $0x7FFFFFFF  }
0xc3: {  	_ =	shalt  }
tec
execute0_lowered:
.L_overlay_start_1:
0x0: {  	(tag) =	ssettag $0x1  }
0x1: {  	s6 =	rddreg [dreg:$0x0]  }
0x2: {  	s0 =	srdreg.scid;
	s2 =	rddreg [dreg:$0x1];
	s3 =	simm.s32 $0x0  }
0x3: {  	s12 =	simm.s32 $0x2800;
	s5 =	sand.u32 $0x1, s0;
	s0 =	stileid.u32  }
0x4: {  	s13 =	simm.s32 $0x80;
	s14 =	simm.s32 $0x0;
	s7 =	smul.u32 $0x280, s0  }
0x5: {  	[smem:$0x7FF] =	sst s3;
	s1 =	sshll.u32 s5, $0x4;
	s8 =	smul.u32 $0x2800, s5  }
0x6: {  	s10 =	ssub.s32 $0x2, s5;
	s5 =	sadd.s32 $0xE600, s6;
	s1 =	sor.u32 s0, s1  }
0x7: {  	s31 =	sshll.u32 s0, $0x6;
	s30 =	sshrl.u32 s10, $0x1;
	s4 =	smul.u32 $0x500, s1  }
0x8: {  	s1 =	rddreg [dreg:$0x2];
	_ =	strace $0x80000047;
	s8 =	sadd.s32 s7, s8  }
0x9: {  	s10 =	ssub.s32 s10, s30;
	s11 =	sadd.s32 s7, s2;
	s8 =	sshrl.u32 s8, $0x3  }
0xa: {  	s9 =	sadd.s32 s4, s6;
	s4 =	sadd.s32 $0xE800, s6;
	s8 =	sadd.s32 s8, s6  }
0xb: {  	s6 =	sor.u32 $0x1C01, s31;
	s7 =	sadd.s32 $0x4600, s9;
	s8 =	sadd.s32 $0xEA00, s8  }
0xc: {  	s9 =	smax.u32 s10, $0x1;
	s10 =	sshrl.u32 s11, $0x3;
	s11 =	simm.s32 $0x1  }
.LBB2_1:
0xd: {  	[spmem:s10], [sflag:s6] =	dma.local [hbm:s5], $0x50  }
0xe: {  	_ =	swait.ge [sflag:s11], $0x50  }
0xf: {  	[sflag:s11] =	ssyncset.done $0x0  }
0x10: {  	[sflag:s11] =	ssyncadd.s32 $0xFFFFFFB0  }
0x11: {  	[tilespmem:s12], [sflag:$0x1] =	stream.linear.gather [hbm4b:s4+s3], $0x80, $0x38;
	[tilespmem:$0x2B00] =	vst v63  }
0x12: {  	_ =	swait.ge [sflag:s11], $0x80  }
0x13: {  	[sflag:s11] =	ssyncset.done $0x0  }
0x14: {  	[sflag:s11] =	ssyncadd.s32 $0xFFFFFF80  }
0x15: {  	[tilespmem:s3], [sflag:$0x1] =	stream.linear.gather [hbm4b:s7+s3], $0x2800, $0x38;
	[tilespmem:$0x2B00] =	vst v63  }
0x16: {  	_ =	swait.ge [sflag:s11], $0x2800  }
0x17: {  	[sflag:s11] =	ssyncset.done $0x0  }
0x18: {  	[sflag:s11] =	ssyncadd.s32 $0xFFFFD800  }
0x19: {  	s15 =	simm.s32 $0x0;
	[bflag:$0x0] =	sbarrier.arrive $0xFFFF  }
0x1a: {  	[spmem:s2] =	stream.indirect.scatter.add.f32 [tilespmem:s12], [sflag:$0x1], $0x1, s15, s13, $0xb8;
	[tilespmem:$0x2B00] =	vst v63  }
0x1b: {  	_ =	swait.ge [sflag:s11], $0x80  }
0x1c: {  	s15 =	simm.s32 $0x200;
	[sflag:s11] =	ssyncset.done $0x0  }
.LBB2_2:
0x1d: {  	s16 =	sshra.s32 s15, $0x2;
	[sflag:s11] =	ssyncadd.s32 $0xFFFFFF80;
	p0 =	sne.s32 s15, $0x9E00  }
0x1e: {  	[spmem:s2] =	stream.indirect.scatter.add.f32 [tilespmem:s12], [sflag:$0x1], $0x1, s16, s13, $0xb8;
	[tilespmem:$0x2B00] =	vst v63  }
.Ltmp0:
0x1f: {  	_ = 	snop;
	(pc) =	sbr.rel @p0 .LBB2_2-.Ltmp0, $4  }
0x20: {  	_ = 	snop  }
0x21: {  	s15 =	sadd.s32 $0x200, s15  }
0x22: {  	_ =	swait.ge [sflag:s11], $0x80  }
0x23: {  	[sflag:s11] =	ssyncset.done $0x0  }
0x24: {  	s14 =	sadd.s32 $0x1, s14  }
0x25: {  	[sflag:s11] =	ssyncadd.s32 $0xFFFFFF80;
	p0 =	sne.s32 s14, s9  }
.Ltmp1:
0x26: {  	[bflag:$0x0] =	sbarrier.arrive $0xFFFF;
	(pc) =	sbr.rel @p0 .LBB2_1-.Ltmp1, $4  }
0x27: {  	[hbm:s8], [sflag:s6] =	dma.local [spmem:s10], $0x50  }
0x28: {  	_ =	swait.ge [sflag:s11], $0x50  }
0x29: {  	[sflag:s11] =	ssyncset.done $0x0  }
0x2a: {  	[sflag:s11] =	ssyncadd.s32 $0xFFFFFFB0  }
0x2b: {  	_ =	sfence.sel $0x180000  }
0x2c: {  	[bflag:$0x0] =	sbarrier.arrive $0xFFFF  }
0x2d: {  	p0 =	sne.s32 s0, $0x0;
	_ =	strace $0x90000047  }
0x2e: {  	s0 =	sadd.s32 @!p0 $0x100000, s1;
	[bflag:$0x2] =	sbarrier.arrive $0xFFFF  }
0x2f: {  	[sflag:s0] =	ssyncadd.tile.s32 @!p0 $0x1;
	_ =	shalt  }
.Lfunc_end2:
_tile_overlayer_lowered:
.L_overlay_start_2:
0x30: {  	(tag) =	ssettag $0x2  }
0x31: {  	s0 =	rddreg [dreg:$0x0];
	s2 =	stileid.u32  }
0x32: {  	s1 =	rddreg [dreg:$0x1];
	p0 =	sne.s32 s2, $0x0  }
0x33: {  	s3 =	rddreg [dreg:$0x2];
	[bflag:$0x3] =	sbarrier.arrive $0xFFFF;
	s2 =	simm.s32 @!p0 $0x1C01  }
0x34: {  	[timem:s3], [sflag:s2] =	dma.local @!p0 [hbm:s0], s1  }
0x35: {  	s0 =	simm.s32 @!p0 $0x1  }
0x36: {  	_ =	swait.ge @!p0 [sflag:s0], s1  }
0x37: {  	s1 =	ssub.s32 @!p0 $0x0, s1;
	[sflag:s0] =	ssyncset.done @!p0 $0x0  }
0x38: {  	[sflag:s0] =	ssyncadd.s32 @!p0 s1  }
0x39: {  	[bflag:$0x3] =	sbarrier.arrive $0xFFFF  }
0x3a: {  	_ =	shalt  }

</sc_bundles>
